<compile_context>
chip_gen: v7x
topology: tpu7x:2x2x1
jax: 0.10.2.dev20260603
libtpu: 0.0.44.dev20260713+nightly
codegen_flags: <defaults>
</compile_context>

<pallas_src>
import functools

import jax
import jax.numpy as jnp
from jax import lax
from jax.experimental import pallas as pl
from jax.experimental.pallas import tpu as pltpu
from jax.experimental.pallas import tpu_sc as plsc

_NUM_CORES = 2
_NUM_SUBCORES = 16
_NUM_WORKERS = _NUM_CORES * _NUM_SUBCORES

_CHUNK = 8
_NBUF = 7
_K_AHEAD = 3


@functools.lru_cache(maxsize=None)
def _build(total, vocab, feat):
    assert total % _NUM_WORKERS == 0
    bpw = total // _NUM_WORKERS
    assert bpw % _CHUNK == 0
    nchunk = bpw // _CHUNK
    assert 1 <= _K_AHEAD < _NBUF <= nchunk

    mesh = plsc.VectorSubcoreMesh(
        core_axis_name="c", subcore_axis_name="s",
        num_cores=_NUM_CORES, num_subcores=_NUM_SUBCORES)

    @functools.partial(
        pl.kernel,
        out_type=jax.ShapeDtypeStruct((total, feat), jnp.float32),
        mesh=mesh,
        scratch_types=[
            pltpu.VMEM((bpw,), jnp.int32),
            [pltpu.VMEM((_CHUNK, feat), jnp.float32) for _ in range(_NBUF)],
            [pltpu.SemaphoreType.DMA for _ in range(_NBUF)],
            [pltpu.SemaphoreType.DMA for _ in range(_NBUF)],
        ],
    )
    def embed(idx_hbm, table_hbm, out_hbm, idx_v, rows, gsems, ssems):
        wid = lax.axis_index("s") * _NUM_CORES + lax.axis_index("c")
        base = wid * bpw
        pltpu.sync_copy(idx_hbm.at[pl.ds(base, bpw)], idx_v)

        def gather_start(c, b):
            pltpu.async_copy(
                table_hbm.at[idx_v.at[pl.ds(c * _CHUNK, _CHUNK)]],
                rows[b], gsems[b])

        def gather_wait(c, b):
            pltpu.make_async_copy(
                table_hbm.at[idx_v.at[pl.ds(c * _CHUNK, _CHUNK)]],
                rows[b], gsems[b]).wait()

        def scatter_start(c, b):
            pltpu.async_copy(
                rows[b], out_hbm.at[pl.ds(base + c * _CHUNK, _CHUNK)],
                ssems[b])

        def scatter_wait(c, b):
            pltpu.make_async_copy(
                rows[b], out_hbm.at[pl.ds(base + c * _CHUNK, _CHUNK)],
                ssems[b]).wait()

        def body(c, b, do_swait, do_gstart):
            gather_wait(c, b)
            scatter_start(c, b)
            b2 = (b + _K_AHEAD) % _NBUF
            if do_swait:
                scatter_wait(c + _K_AHEAD - _NBUF, b2)
            if do_gstart:
                gather_start(c + _K_AHEAD, b2)

        for c in range(_K_AHEAD):
            gather_start(c, c % _NBUF)
        head = _NBUF - _K_AHEAD
        for c in range(min(head, nchunk - _K_AHEAD)):
            body(c, c % _NBUF, False, True)
        ngroups = max(0, (nchunk - _K_AHEAD - head)) // _NBUF
        if ngroups > 0:
            @pl.loop(head, head + ngroups * _NBUF, step=_NBUF)
            def _(c0):
                for j in range(_NBUF):
                    body(c0 + j, (head + j) % _NBUF, True, True)
        for c in range(head + ngroups * _NBUF, nchunk - _K_AHEAD):
            body(c, c % _NBUF, True, True)
        for c in range(max(nchunk - _K_AHEAD, head), nchunk):
            body(c, c % _NBUF, True, False)
        for c in range(nchunk - _NBUF + _K_AHEAD, nchunk):
            scatter_wait(c, c % _NBUF)

    return embed


def kernel(inputs, embedding):
    batch, seq = inputs.shape
    vocab, feat = embedding.shape
    flat_idx = inputs.reshape(-1).astype(jnp.int32)
    out = _build(batch * seq, vocab, feat)(flat_idx, embedding)
    return out.reshape(batch, seq, feat)

# --- scband reference (transcript-rebuilt; emitter-appended) ---
"""Pipeline reference for scband-fixed-embed-73839077753238 (READ-ONLY COPY).

The authoritative reference and input builder live on the scoring server;
editing this copy changes nothing except your own understanding.
"""

import jax, jax.numpy as jnp
import numpy as np

FEATURES = 2048
MAX_LENGTH = 8192
BATCH = 4
SEQ_LEN = 4096


def _sinusoidal_embedding(max_len, d_feature, min_scale=1.0, max_scale=1.0e4, dtype=np.float32):
    # Faithful reproduction of the flaxformer sinusoidal initializer used as
    # FixedEmbed.embedding_init default.
    pe = np.zeros((max_len, d_feature), dtype=np.float32)
    position = np.arange(0, max_len)[:, np.newaxis]
    half = d_feature // 2
    scale_factor = -np.log(max_scale / min_scale) / (half - 1)
    div_term = min_scale * np.exp(np.arange(0, half) * scale_factor)
    pe[:, :half] = np.sin(position * div_term)
    pe[:, half:2 * half] = np.cos(position * div_term)
    return jnp.asarray(pe, dtype=dtype)


def setup_inputs(seed: int = 0) -> dict:
    key = jax.random.key(seed)
    k_inputs, = jax.random.split(key, 1)
    inputs = jax.random.randint(k_inputs, (BATCH, SEQ_LEN), 0, MAX_LENGTH, dtype=jnp.int64 if jax.config.read('jax_enable_x64') else jnp.int32)
    embedding = _sinusoidal_embedding(MAX_LENGTH, FEATURES)
    return {"inputs": inputs, "embedding": embedding}


def reference(inputs, embedding):
    # FixedEmbed.__call__ with decode=False, segment_ids ignored:
    #   return jnp.take(self.embedding, inputs, axis=0)
    return jnp.take(embedding, inputs, axis=0)

if __name__ == "__main__":
    import jax
    _d = setup_inputs()
    print(jax.jit(kernel)(*tuple(_d.values())))

</pallas_src>

<mosaic_0001>
#map = affine_map<(d0, d1) -> (0)>
#map1 = affine_map<(d0, d1) -> (0, 0)>
module attributes {stable_mosaic.version = 14 : i64} {
  func.func @embed(%arg0: i32, %arg1: i32, %arg2: memref<16384xi32, #tpu.memory_space<hbm>>, %arg3: memref<8192x2048xf32, #tpu.memory_space<hbm>>, %arg4: memref<16384x2048xf32, #tpu.memory_space<hbm>>, %arg5: memref<512xi32, #tpu.memory_space<vmem>>, %arg6: memref<8x2048xf32, #tpu.memory_space<vmem>>, %arg7: memref<8x2048xf32, #tpu.memory_space<vmem>>, %arg8: memref<8x2048xf32, #tpu.memory_space<vmem>>, %arg9: memref<8x2048xf32, #tpu.memory_space<vmem>>, %arg10: memref<8x2048xf32, #tpu.memory_space<vmem>>, %arg11: memref<8x2048xf32, #tpu.memory_space<vmem>>, %arg12: memref<8x2048xf32, #tpu.memory_space<vmem>>, %arg13: memref<!tpu.dma_semaphore, #tpu.memory_space<semaphore_mem>>, %arg14: memref<!tpu.dma_semaphore, #tpu.memory_space<semaphore_mem>>, %arg15: memref<!tpu.dma_semaphore, #tpu.memory_space<semaphore_mem>>, %arg16: memref<!tpu.dma_semaphore, #tpu.memory_space<semaphore_mem>>, %arg17: memref<!tpu.dma_semaphore, #tpu.memory_space<semaphore_mem>>, %arg18: memref<!tpu.dma_semaphore, #tpu.memory_space<semaphore_mem>>, %arg19: memref<!tpu.dma_semaphore, #tpu.memory_space<semaphore_mem>>, %arg20: memref<!tpu.dma_semaphore, #tpu.memory_space<semaphore_mem>>, %arg21: memref<!tpu.dma_semaphore, #tpu.memory_space<semaphore_mem>>, %arg22: memref<!tpu.dma_semaphore, #tpu.memory_space<semaphore_mem>>, %arg23: memref<!tpu.dma_semaphore, #tpu.memory_space<semaphore_mem>>, %arg24: memref<!tpu.dma_semaphore, #tpu.memory_space<semaphore_mem>>, %arg25: memref<!tpu.dma_semaphore, #tpu.memory_space<semaphore_mem>>, %arg26: memref<!tpu.dma_semaphore, #tpu.memory_space<semaphore_mem>>) attributes {dimension_semantics = [#tpu.dimension_semantics<core_parallel>, #tpu.dimension_semantics<subcore_parallel>], iteration_bounds = array<i64: 2, 16>, scalar_prefetch = 0 : i64, scratch_operands = 22 : i64, tpu.core_type = #tpu.core_type<sc_vector_subcore>, window_params = [{transform_indices = #map}, {transform_indices = #map1}, {transform_indices = #map1}]} {
    %mul3A = arith.constant 2 : i32
    %mul3A_0 = arith.muli %arg1, %mul3A : i32
    %add3A = arith.addi %mul3A_0, %arg0 : i32
    %mul3A_1 = arith.constant 512 : i32
    %mul3A_2 = arith.muli %add3A, %mul3A_1 : i32
    "tpu.region"() ({
      %run_scoped3A = tpu.sem_alloc : memref<!tpu.dma_semaphore, #tpu.memory_space<semaphore_mem>>
      %dma_start3A_181 = tpu.memref_slice %arg2[%mul3A_2] : memref<16384xi32, #tpu.memory_space<hbm>> -> memref<512xi32, #tpu.memory_space<hbm>>
      %dma_start3A_182 = tpu.memref_slice %arg2[%mul3A_2] : memref<16384xi32, #tpu.memory_space<hbm>> -> memref<512xi32, #tpu.memory_space<hbm>>
      tpu.enqueue_dma source(%dma_start3A_182 : memref<512xi32, #tpu.memory_space<hbm>>) target(%arg5 : memref<512xi32, #tpu.memory_space<vmem>>) target_semaphore(%run_scoped3A : memref<!tpu.dma_semaphore, #tpu.memory_space<semaphore_mem>>)
      %dma_wait3A_183 = tpu.memref_slice %arg2[%mul3A_2] : memref<16384xi32, #tpu.memory_space<hbm>> -> memref<512xi32, #tpu.memory_space<hbm>>
      %dma_wait3A_184 = tpu.memref_slice %arg2[%mul3A_2] : memref<16384xi32, #tpu.memory_space<hbm>> -> memref<512xi32, #tpu.memory_space<hbm>>
      tpu.wait_dma2 semaphore(%run_scoped3A : memref<!tpu.dma_semaphore, #tpu.memory_space<semaphore_mem>>) src(%dma_wait3A_184 : memref<512xi32, #tpu.memory_space<hbm>>) dst(%arg5 : memref<512xi32, #tpu.memory_space<vmem>>)
      tpu.yield
    }) : () -> ()
    %dma_start3A = arith.constant 0 : i32
    %dma_start3A_3 = tpu.memref_slice %arg5[%dma_start3A] : memref<512xi32, #tpu.memory_space<vmem>> -> memref<8xi32, #tpu.memory_space<vmem>>
    %dma_start3A_4 = arith.constant 0 : i32
    %dma_start3A_5 = arith.constant 0 : i32
    %dma_start3A_6 = tpu.memref_slice %arg3[%dma_start3A_4, %dma_start3A_5] : memref<8192x2048xf32, #tpu.memory_space<hbm>> -> memref<8192x2048xf32, #tpu.memory_space<hbm>>
    tpu.enqueue_indirect_dma source(%dma_start3A_6 : memref<8192x2048xf32, #tpu.memory_space<hbm>>) target(%arg6 : memref<8x2048xf32, #tpu.memory_space<vmem>>) offsets(%dma_start3A_3 : memref<8xi32, #tpu.memory_space<vmem>>) semaphore(%arg13 : memref<!tpu.dma_semaphore, #tpu.memory_space<semaphore_mem>>)
    %dma_start3A_7 = arith.constant 8 : i32
    %dma_start3A_8 = tpu.memref_slice %arg5[%dma_start3A_7] : memref<512xi32, #tpu.memory_space<vmem>> -> memref<8xi32, #tpu.memory_space<vmem>>
    %dma_start3A_9 = arith.constant 0 : i32
    %dma_start3A_10 = arith.constant 0 : i32
    %dma_start3A_11 = tpu.memref_slice %arg3[%dma_start3A_9, %dma_start3A_10] : memref<8192x2048xf32, #tpu.memory_space<hbm>> -> memref<8192x2048xf32, #tpu.memory_space<hbm>>
    tpu.enqueue_indirect_dma source(%dma_start3A_11 : memref<8192x2048xf32, #tpu.memory_space<hbm>>) target(%arg7 : memref<8x2048xf32, #tpu.memory_space<vmem>>) offsets(%dma_start3A_8 : memref<8xi32, #tpu.memory_space<vmem>>) semaphore(%arg14 : memref<!tpu.dma_semaphore, #tpu.memory_space<semaphore_mem>>)
    %dma_start3A_12 = arith.constant 16 : i32
    %dma_start3A_13 = tpu.memref_slice %arg5[%dma_start3A_12] : memref<512xi32, #tpu.memory_space<vmem>> -> memref<8xi32, #tpu.memory_space<vmem>>
    %dma_start3A_14 = arith.constant 0 : i32
    %dma_start3A_15 = arith.constant 0 : i32
    %dma_start3A_16 = tpu.memref_slice %arg3[%dma_start3A_14, %dma_start3A_15] : memref<8192x2048xf32, #tpu.memory_space<hbm>> -> memref<8192x2048xf32, #tpu.memory_space<hbm>>
    tpu.enqueue_indirect_dma source(%dma_start3A_16 : memref<8192x2048xf32, #tpu.memory_space<hbm>>) target(%arg8 : memref<8x2048xf32, #tpu.memory_space<vmem>>) offsets(%dma_start3A_13 : memref<8xi32, #tpu.memory_space<vmem>>) semaphore(%arg15 : memref<!tpu.dma_semaphore, #tpu.memory_space<semaphore_mem>>)
    %dma_wait3A = arith.constant 0 : i32
    %dma_wait3A_17 = tpu.memref_slice %arg5[%dma_wait3A] : memref<512xi32, #tpu.memory_space<vmem>> -> memref<8xi32, #tpu.memory_space<vmem>>
    %dma_wait3A_18 = arith.constant 0 : i32
    %dma_wait3A_19 = arith.constant 0 : i32
    %dma_wait3A_20 = tpu.memref_slice %arg3[%dma_wait3A_18, %dma_wait3A_19] : memref<8192x2048xf32, #tpu.memory_space<hbm>> -> memref<8192x2048xf32, #tpu.memory_space<hbm>>
    tpu.wait_indirect_dma semaphore(%arg13 : memref<!tpu.dma_semaphore, #tpu.memory_space<semaphore_mem>>) src(%dma_wait3A_20 : memref<8192x2048xf32, #tpu.memory_space<hbm>>) dst(%arg6 : memref<8x2048xf32, #tpu.memory_space<vmem>>)
    %add3A_21 = arith.constant 0 : i32
    %add3A_22 = arith.addi %mul3A_2, %add3A_21 : i32
    %dma_start3A_23 = arith.constant 0 : i32
    %dma_start3A_24 = tpu.memref_slice %arg4[%add3A_22, %dma_start3A_23] : memref<16384x2048xf32, #tpu.memory_space<hbm>> -> memref<8x2048xf32, #tpu.memory_space<hbm>>
    %dma_start3A_25 = arith.constant 0 : i32
    %dma_start3A_26 = tpu.memref_slice %arg4[%add3A_22, %dma_start3A_25] : memref<16384x2048xf32, #tpu.memory_space<hbm>> -> memref<8x2048xf32, #tpu.memory_space<hbm>>
    tpu.enqueue_dma source(%arg6 : memref<8x2048xf32, #tpu.memory_space<vmem>>) target(%dma_start3A_26 : memref<8x2048xf32, #tpu.memory_space<hbm>>) target_semaphore(%arg20 : memref<!tpu.dma_semaphore, #tpu.memory_space<semaphore_mem>>)
    %dma_start3A_27 = arith.constant 24 : i32
    %dma_start3A_28 = tpu.memref_slice %arg5[%dma_start3A_27] : memref<512xi32, #tpu.memory_space<vmem>> -> memref<8xi32, #tpu.memory_space<vmem>>
    %dma_start3A_29 = arith.constant 0 : i32
    %dma_start3A_30 = arith.constant 0 : i32
    %dma_start3A_31 = tpu.memref_slice %arg3[%dma_start3A_29, %dma_start3A_30] : memref<8192x2048xf32, #tpu.memory_space<hbm>> -> memref<8192x2048xf32, #tpu.memory_space<hbm>>
    tpu.enqueue_indirect_dma source(%dma_start3A_31 : memref<8192x2048xf32, #tpu.memory_space<hbm>>) target(%arg9 : memref<8x2048xf32, #tpu.memory_space<vmem>>) offsets(%dma_start3A_28 : memref<8xi32, #tpu.memory_space<vmem>>) semaphore(%arg16 : memref<!tpu.dma_semaphore, #tpu.memory_space<semaphore_mem>>)
    %dma_wait3A_32 = arith.constant 8 : i32
    %dma_wait3A_33 = tpu.memref_slice %arg5[%dma_wait3A_32] : memref<512xi32, #tpu.memory_space<vmem>> -> memref<8xi32, #tpu.memory_space<vmem>>
    %dma_wait3A_34 = arith.constant 0 : i32
    %dma_wait3A_35 = arith.constant 0 : i32
    %dma_wait3A_36 = tpu.memref_slice %arg3[%dma_wait3A_34, %dma_wait3A_35] : memref<8192x2048xf32, #tpu.memory_space<hbm>> -> memref<8192x2048xf32, #tpu.memory_space<hbm>>
    tpu.wait_indirect_dma semaphore(%arg14 : memref<!tpu.dma_semaphore, #tpu.memory_space<semaphore_mem>>) src(%dma_wait3A_36 : memref<8192x2048xf32, #tpu.memory_space<hbm>>) dst(%arg7 : memref<8x2048xf32, #tpu.memory_space<vmem>>)
    %add3A_37 = arith.constant 8 : i32
    %add3A_38 = arith.addi %mul3A_2, %add3A_37 : i32
    %dma_start3A_39 = arith.constant 0 : i32
    %dma_start3A_40 = tpu.memref_slice %arg4[%add3A_38, %dma_start3A_39] : memref<16384x2048xf32, #tpu.memory_space<hbm>> -> memref<8x2048xf32, #tpu.memory_space<hbm>>
    %dma_start3A_41 = arith.constant 0 : i32
    %dma_start3A_42 = tpu.memref_slice %arg4[%add3A_38, %dma_start3A_41] : memref<16384x2048xf32, #tpu.memory_space<hbm>> -> memref<8x2048xf32, #tpu.memory_space<hbm>>
    tpu.enqueue_dma source(%arg7 : memref<8x2048xf32, #tpu.memory_space<vmem>>) target(%dma_start3A_42 : memref<8x2048xf32, #tpu.memory_space<hbm>>) target_semaphore(%arg21 : memref<!tpu.dma_semaphore, #tpu.memory_space<semaphore_mem>>)
    %dma_start3A_43 = arith.constant 32 : i32
    %dma_start3A_44 = tpu.memref_slice %arg5[%dma_start3A_43] : memref<512xi32, #tpu.memory_space<vmem>> -> memref<8xi32, #tpu.memory_space<vmem>>
    %dma_start3A_45 = arith.constant 0 : i32
    %dma_start3A_46 = arith.constant 0 : i32
    %dma_start3A_47 = tpu.memref_slice %arg3[%dma_start3A_45, %dma_start3A_46] : memref<8192x2048xf32, #tpu.memory_space<hbm>> -> memref<8192x2048xf32, #tpu.memory_space<hbm>>
    tpu.enqueue_indirect_dma source(%dma_start3A_47 : memref<8192x2048xf32, #tpu.memory_space<hbm>>) target(%arg10 : memref<8x2048xf32, #tpu.memory_space<vmem>>) offsets(%dma_start3A_44 : memref<8xi32, #tpu.memory_space<vmem>>) semaphore(%arg17 : memref<!tpu.dma_semaphore, #tpu.memory_space<semaphore_mem>>)
    %dma_wait3A_48 = arith.constant 16 : i32
    %dma_wait3A_49 = tpu.memref_slice %arg5[%dma_wait3A_48] : memref<512xi32, #tpu.memory_space<vmem>> -> memref<8xi32, #tpu.memory_space<vmem>>
    %dma_wait3A_50 = arith.constant 0 : i32
    %dma_wait3A_51 = arith.constant 0 : i32
    %dma_wait3A_52 = tpu.memref_slice %arg3[%dma_wait3A_50, %dma_wait3A_51] : memref<8192x2048xf32, #tpu.memory_space<hbm>> -> memref<8192x2048xf32, #tpu.memory_space<hbm>>
    tpu.wait_indirect_dma semaphore(%arg15 : memref<!tpu.dma_semaphore, #tpu.memory_space<semaphore_mem>>) src(%dma_wait3A_52 : memref<8192x2048xf32, #tpu.memory_space<hbm>>) dst(%arg8 : memref<8x2048xf32, #tpu.memory_space<vmem>>)
    %add3A_53 = arith.constant 16 : i32
    %add3A_54 = arith.addi %mul3A_2, %add3A_53 : i32
    %dma_start3A_55 = arith.constant 0 : i32
    %dma_start3A_56 = tpu.memref_slice %arg4[%add3A_54, %dma_start3A_55] : memref<16384x2048xf32, #tpu.memory_space<hbm>> -> memref<8x2048xf32, #tpu.memory_space<hbm>>
    %dma_start3A_57 = arith.constant 0 : i32
    %dma_start3A_58 = tpu.memref_slice %arg4[%add3A_54, %dma_start3A_57] : memref<16384x2048xf32, #tpu.memory_space<hbm>> -> memref<8x2048xf32, #tpu.memory_space<hbm>>
    tpu.enqueue_dma source(%arg8 : memref<8x2048xf32, #tpu.memory_space<vmem>>) target(%dma_start3A_58 : memref<8x2048xf32, #tpu.memory_space<hbm>>) target_semaphore(%arg22 : memref<!tpu.dma_semaphore, #tpu.memory_space<semaphore_mem>>)
    %dma_start3A_59 = arith.constant 40 : i32
    %dma_start3A_60 = tpu.memref_slice %arg5[%dma_start3A_59] : memref<512xi32, #tpu.memory_space<vmem>> -> memref<8xi32, #tpu.memory_space<vmem>>
    %dma_start3A_61 = arith.constant 0 : i32
    %dma_start3A_62 = arith.constant 0 : i32
    %dma_start3A_63 = tpu.memref_slice %arg3[%dma_start3A_61, %dma_start3A_62] : memref<8192x2048xf32, #tpu.memory_space<hbm>> -> memref<8192x2048xf32, #tpu.memory_space<hbm>>
    tpu.enqueue_indirect_dma source(%dma_start3A_63 : memref<8192x2048xf32, #tpu.memory_space<hbm>>) target(%arg11 : memref<8x2048xf32, #tpu.memory_space<vmem>>) offsets(%dma_start3A_60 : memref<8xi32, #tpu.memory_space<vmem>>) semaphore(%arg18 : memref<!tpu.dma_semaphore, #tpu.memory_space<semaphore_mem>>)
    %dma_wait3A_64 = arith.constant 24 : i32
    %dma_wait3A_65 = tpu.memref_slice %arg5[%dma_wait3A_64] : memref<512xi32, #tpu.memory_space<vmem>> -> memref<8xi32, #tpu.memory_space<vmem>>
    %dma_wait3A_66 = arith.constant 0 : i32
    %dma_wait3A_67 = arith.constant 0 : i32
    %dma_wait3A_68 = tpu.memref_slice %arg3[%dma_wait3A_66, %dma_wait3A_67] : memref<8192x2048xf32, #tpu.memory_space<hbm>> -> memref<8192x2048xf32, #tpu.memory_space<hbm>>
    tpu.wait_indirect_dma semaphore(%arg16 : memref<!tpu.dma_semaphore, #tpu.memory_space<semaphore_mem>>) src(%dma_wait3A_68 : memref<8192x2048xf32, #tpu.memory_space<hbm>>) dst(%arg9 : memref<8x2048xf32, #tpu.memory_space<vmem>>)
    %add3A_69 = arith.constant 24 : i32
    %add3A_70 = arith.addi %mul3A_2, %add3A_69 : i32
    %dma_start3A_71 = arith.constant 0 : i32
    %dma_start3A_72 = tpu.memref_slice %arg4[%add3A_70, %dma_start3A_71] : memref<16384x2048xf32, #tpu.memory_space<hbm>> -> memref<8x2048xf32, #tpu.memory_space<hbm>>
    %dma_start3A_73 = arith.constant 0 : i32
    %dma_start3A_74 = tpu.memref_slice %arg4[%add3A_70, %dma_start3A_73] : memref<16384x2048xf32, #tpu.memory_space<hbm>> -> memref<8x2048xf32, #tpu.memory_space<hbm>>
    tpu.enqueue_dma source(%arg9 : memref<8x2048xf32, #tpu.memory_space<vmem>>) target(%dma_start3A_74 : memref<8x2048xf32, #tpu.memory_space<hbm>>) target_semaphore(%arg23 : memref<!tpu.dma_semaphore, #tpu.memory_space<semaphore_mem>>)
    %dma_start3A_75 = arith.constant 48 : i32
    %dma_start3A_76 = tpu.memref_slice %arg5[%dma_start3A_75] : memref<512xi32, #tpu.memory_space<vmem>> -> memref<8xi32, #tpu.memory_space<vmem>>
    %dma_start3A_77 = arith.constant 0 : i32
    %dma_start3A_78 = arith.constant 0 : i32
    %dma_start3A_79 = tpu.memref_slice %arg3[%dma_start3A_77, %dma_start3A_78] : memref<8192x2048xf32, #tpu.memory_space<hbm>> -> memref<8192x2048xf32, #tpu.memory_space<hbm>>
    tpu.enqueue_indirect_dma source(%dma_start3A_79 : memref<8192x2048xf32, #tpu.memory_space<hbm>>) target(%arg12 : memref<8x2048xf32, #tpu.memory_space<vmem>>) offsets(%dma_start3A_76 : memref<8xi32, #tpu.memory_space<vmem>>) semaphore(%arg19 : memref<!tpu.dma_semaphore, #tpu.memory_space<semaphore_mem>>)
    %scan3A = arith.constant 0 : i32
    %scan3A_80 = arith.constant 8 : i32
    %scan3A_81 = arith.addi %scan3A, %scan3A_80 : i32
    %scan3A_82 = arith.constant 1 : i32
    scf.for %scan3A_181 = %scan3A to %scan3A_81 step %scan3A_82  : i32 {
      %mul3A_182 = arith.constant 7 : i32
      %mul3A_183 = arith.muli %scan3A_181, %mul3A_182 : i32
      %add3A_184 = arith.constant 4 : i32
      %add3A_185 = arith.addi %add3A_184, %mul3A_183 : i32
      %add3A_186 = arith.constant 0 : i32
      %add3A_187 = arith.addi %add3A_185, %add3A_186 : i32
      %mul3A_188 = arith.constant 8 : i32
      %mul3A_189 = arith.muli %add3A_187, %mul3A_188 : i32
      %dma_wait3A_190 = tpu.memref_slice %arg5[%mul3A_189] : memref<512xi32, #tpu.memory_space<vmem>> -> memref<8xi32, #tpu.memory_space<vmem>>
      %dma_wait3A_191 = arith.constant 0 : i32
      %dma_wait3A_192 = arith.constant 0 : i32
      %dma_wait3A_193 = tpu.memref_slice %arg3[%dma_wait3A_191, %dma_wait3A_192] : memref<8192x2048xf32, #tpu.memory_space<hbm>> -> memref<8192x2048xf32, #tpu.memory_space<hbm>>
      tpu.wait_indirect_dma semaphore(%arg17 : memref<!tpu.dma_semaphore, #tpu.memory_space<semaphore_mem>>) src(%dma_wait3A_193 : memref<8192x2048xf32, #tpu.memory_space<hbm>>) dst(%arg10 : memref<8x2048xf32, #tpu.memory_space<vmem>>)
      %mul3A_194 = arith.constant 8 : i32
      %mul3A_195 = arith.muli %add3A_187, %mul3A_194 : i32
      %add3A_196 = arith.addi %mul3A_2, %mul3A_195 : i32
      %dma_start3A_197 = arith.constant 0 : i32
      %dma_start3A_198 = tpu.memref_slice %arg4[%add3A_196, %dma_start3A_197] : memref<16384x2048xf32, #tpu.memory_space<hbm>> -> memref<8x2048xf32, #tpu.memory_space<hbm>>
      %dma_start3A_199 = arith.constant 0 : i32
      %dma_start3A_200 = tpu.memref_slice %arg4[%add3A_196, %dma_start3A_199] : memref<16384x2048xf32, #tpu.memory_space<hbm>> -> memref<8x2048xf32, #tpu.memory_space<hbm>>
      tpu.enqueue_dma source(%arg10 : memref<8x2048xf32, #tpu.memory_space<vmem>>) target(%dma_start3A_200 : memref<8x2048xf32, #tpu.memory_space<hbm>>) target_semaphore(%arg24 : memref<!tpu.dma_semaphore, #tpu.memory_space<semaphore_mem>>)
      %add3A_201 = arith.constant 3 : i32
      %add3A_202 = arith.addi %add3A_187, %add3A_201 : i32
      %sub3A = arith.constant 7 : i32
      %sub3A_203 = arith.subi %add3A_202, %sub3A : i32
      %mul3A_204 = arith.constant 8 : i32
      %mul3A_205 = arith.muli %sub3A_203, %mul3A_204 : i32
      %add3A_206 = arith.addi %mul3A_2, %mul3A_205 : i32
      %dma_wait3A_207 = arith.constant 0 : i32
      %dma_wait3A_208 = tpu.memref_slice %arg4[%add3A_206, %dma_wait3A_207] : memref<16384x2048xf32, #tpu.memory_space<hbm>> -> memref<8x2048xf32, #tpu.memory_space<hbm>>
      %dma_wait3A_209 = arith.constant 0 : i32
      %dma_wait3A_210 = tpu.memref_slice %arg4[%add3A_206, %dma_wait3A_209] : memref<16384x2048xf32, #tpu.memory_space<hbm>> -> memref<8x2048xf32, #tpu.memory_space<hbm>>
      tpu.wait_dma2 semaphore(%arg20 : memref<!tpu.dma_semaphore, #tpu.memory_space<semaphore_mem>>) src(%arg6 : memref<8x2048xf32, #tpu.memory_space<vmem>>) dst(%dma_wait3A_210 : memref<8x2048xf32, #tpu.memory_space<hbm>>)
      %add3A_211 = arith.constant 3 : i32
      %add3A_212 = arith.addi %add3A_187, %add3A_211 : i32
      %mul3A_213 = arith.constant 8 : i32
      %mul3A_214 = arith.muli %add3A_212, %mul3A_213 : i32
      %dma_start3A_215 = tpu.memref_slice %arg5[%mul3A_214] : memref<512xi32, #tpu.memory_space<vmem>> -> memref<8xi32, #tpu.memory_space<vmem>>
      %dma_start3A_216 = arith.constant 0 : i32
      %dma_start3A_217 = arith.constant 0 : i32
      %dma_start3A_218 = tpu.memref_slice %arg3[%dma_start3A_216, %dma_start3A_217] : memref<8192x2048xf32, #tpu.memory_space<hbm>> -> memref<8192x2048xf32, #tpu.memory_space<hbm>>
      tpu.enqueue_indirect_dma source(%dma_start3A_218 : memref<8192x2048xf32, #tpu.memory_space<hbm>>) target(%arg6 : memref<8x2048xf32, #tpu.memory_space<vmem>>) offsets(%dma_start3A_215 : memref<8xi32, #tpu.memory_space<vmem>>) semaphore(%arg13 : memref<!tpu.dma_semaphore, #tpu.memory_space<semaphore_mem>>)
      %add3A_219 = arith.constant 1 : i32
      %add3A_220 = arith.addi %add3A_185, %add3A_219 : i32
      %mul3A_221 = arith.constant 8 : i32
      %mul3A_222 = arith.muli %add3A_220, %mul3A_221 : i32
      %dma_wait3A_223 = tpu.memref_slice %arg5[%mul3A_222] : memref<512xi32, #tpu.memory_space<vmem>> -> memref<8xi32, #tpu.memory_space<vmem>>
      %dma_wait3A_224 = arith.constant 0 : i32
      %dma_wait3A_225 = arith.constant 0 : i32
      %dma_wait3A_226 = tpu.memref_slice %arg3[%dma_wait3A_224, %dma_wait3A_225] : memref<8192x2048xf32, #tpu.memory_space<hbm>> -> memref<8192x2048xf32, #tpu.memory_space<hbm>>
      tpu.wait_indirect_dma semaphore(%arg18 : memref<!tpu.dma_semaphore, #tpu.memory_space<semaphore_mem>>) src(%dma_wait3A_226 : memref<8192x2048xf32, #tpu.memory_space<hbm>>) dst(%arg11 : memref<8x2048xf32, #tpu.memory_space<vmem>>)
      %mul3A_227 = arith.constant 8 : i32
      %mul3A_228 = arith.muli %add3A_220, %mul3A_227 : i32
      %add3A_229 = arith.addi %mul3A_2, %mul3A_228 : i32
      %dma_start3A_230 = arith.constant 0 : i32
      %dma_start3A_231 = tpu.memref_slice %arg4[%add3A_229, %dma_start3A_230] : memref<16384x2048xf32, #tpu.memory_space<hbm>> -> memref<8x2048xf32, #tpu.memory_space<hbm>>
      %dma_start3A_232 = arith.constant 0 : i32
      %dma_start3A_233 = tpu.memref_slice %arg4[%add3A_229, %dma_start3A_232] : memref<16384x2048xf32, #tpu.memory_space<hbm>> -> memref<8x2048xf32, #tpu.memory_space<hbm>>
      tpu.enqueue_dma source(%arg11 : memref<8x2048xf32, #tpu.memory_space<vmem>>) target(%dma_start3A_233 : memref<8x2048xf32, #tpu.memory_space<hbm>>) target_semaphore(%arg25 : memref<!tpu.dma_semaphore, #tpu.memory_space<semaphore_mem>>)
      %add3A_234 = arith.constant 3 : i32
      %add3A_235 = arith.addi %add3A_220, %add3A_234 : i32
      %sub3A_236 = arith.constant 7 : i32
      %sub3A_237 = arith.subi %add3A_235, %sub3A_236 : i32
      %mul3A_238 = arith.constant 8 : i32
      %mul3A_239 = arith.muli %sub3A_237, %mul3A_238 : i32
      %add3A_240 = arith.addi %mul3A_2, %mul3A_239 : i32
      %dma_wait3A_241 = arith.constant 0 : i32
      %dma_wait3A_242 = tpu.memref_slice %arg4[%add3A_240, %dma_wait3A_241] : memref<16384x2048xf32, #tpu.memory_space<hbm>> -> memref<8x2048xf32, #tpu.memory_space<hbm>>
      %dma_wait3A_243 = arith.constant 0 : i32
      %dma_wait3A_244 = tpu.memref_slice %arg4[%add3A_240, %dma_wait3A_243] : memref<16384x2048xf32, #tpu.memory_space<hbm>> -> memref<8x2048xf32, #tpu.memory_space<hbm>>
      tpu.wait_dma2 semaphore(%arg21 : memref<!tpu.dma_semaphore, #tpu.memory_space<semaphore_mem>>) src(%arg7 : memref<8x2048xf32, #tpu.memory_space<vmem>>) dst(%dma_wait3A_244 : memref<8x2048xf32, #tpu.memory_space<hbm>>)
      %add3A_245 = arith.constant 3 : i32
      %add3A_246 = arith.addi %add3A_220, %add3A_245 : i32
      %mul3A_247 = arith.constant 8 : i32
      %mul3A_248 = arith.muli %add3A_246, %mul3A_247 : i32
      %dma_start3A_249 = tpu.memref_slice %arg5[%mul3A_248] : memref<512xi32, #tpu.memory_space<vmem>> -> memref<8xi32, #tpu.memory_space<vmem>>
      %dma_start3A_250 = arith.constant 0 : i32
      %dma_start3A_251 = arith.constant 0 : i32
      %dma_start3A_252 = tpu.memref_slice %arg3[%dma_start3A_250, %dma_start3A_251] : memref<8192x2048xf32, #tpu.memory_space<hbm>> -> memref<8192x2048xf32, #tpu.memory_space<hbm>>
      tpu.enqueue_indirect_dma source(%dma_start3A_252 : memref<8192x2048xf32, #tpu.memory_space<hbm>>) target(%arg7 : memref<8x2048xf32, #tpu.memory_space<vmem>>) offsets(%dma_start3A_249 : memref<8xi32, #tpu.memory_space<vmem>>) semaphore(%arg14 : memref<!tpu.dma_semaphore, #tpu.memory_space<semaphore_mem>>)
      %add3A_253 = arith.constant 2 : i32
      %add3A_254 = arith.addi %add3A_185, %add3A_253 : i32
      %mul3A_255 = arith.constant 8 : i32
      %mul3A_256 = arith.muli %add3A_254, %mul3A_255 : i32
      %dma_wait3A_257 = tpu.memref_slice %arg5[%mul3A_256] : memref<512xi32, #tpu.memory_space<vmem>> -> memref<8xi32, #tpu.memory_space<vmem>>
      %dma_wait3A_258 = arith.constant 0 : i32
      %dma_wait3A_259 = arith.constant 0 : i32
      %dma_wait3A_260 = tpu.memref_slice %arg3[%dma_wait3A_258, %dma_wait3A_259] : memref<8192x2048xf32, #tpu.memory_space<hbm>> -> memref<8192x2048xf32, #tpu.memory_space<hbm>>
      tpu.wait_indirect_dma semaphore(%arg19 : memref<!tpu.dma_semaphore, #tpu.memory_space<semaphore_mem>>) src(%dma_wait3A_260 : memref<8192x2048xf32, #tpu.memory_space<hbm>>) dst(%arg12 : memref<8x2048xf32, #tpu.memory_space<vmem>>)
      %mul3A_261 = arith.constant 8 : i32
      %mul3A_262 = arith.muli %add3A_254, %mul3A_261 : i32
      %add3A_263 = arith.addi %mul3A_2, %mul3A_262 : i32
      %dma_start3A_264 = arith.constant 0 : i32
      %dma_start3A_265 = tpu.memref_slice %arg4[%add3A_263, %dma_start3A_264] : memref<16384x2048xf32, #tpu.memory_space<hbm>> -> memref<8x2048xf32, #tpu.memory_space<hbm>>
      %dma_start3A_266 = arith.constant 0 : i32
      %dma_start3A_267 = tpu.memref_slice %arg4[%add3A_263, %dma_start3A_266] : memref<16384x2048xf32, #tpu.memory_space<hbm>> -> memref<8x2048xf32, #tpu.memory_space<hbm>>
      tpu.enqueue_dma source(%arg12 : memref<8x2048xf32, #tpu.memory_space<vmem>>) target(%dma_start3A_267 : memref<8x2048xf32, #tpu.memory_space<hbm>>) target_semaphore(%arg26 : memref<!tpu.dma_semaphore, #tpu.memory_space<semaphore_mem>>)
      %add3A_268 = arith.constant 3 : i32
      %add3A_269 = arith.addi %add3A_254, %add3A_268 : i32
      %sub3A_270 = arith.constant 7 : i32
      %sub3A_271 = arith.subi %add3A_269, %sub3A_270 : i32
      %mul3A_272 = arith.constant 8 : i32
      %mul3A_273 = arith.muli %sub3A_271, %mul3A_272 : i32
      %add3A_274 = arith.addi %mul3A_2, %mul3A_273 : i32
      %dma_wait3A_275 = arith.constant 0 : i32
      %dma_wait3A_276 = tpu.memref_slice %arg4[%add3A_274, %dma_wait3A_275] : memref<16384x2048xf32, #tpu.memory_space<hbm>> -> memref<8x2048xf32, #tpu.memory_space<hbm>>
      %dma_wait3A_277 = arith.constant 0 : i32
      %dma_wait3A_278 = tpu.memref_slice %arg4[%add3A_274, %dma_wait3A_277] : memref<16384x2048xf32, #tpu.memory_space<hbm>> -> memref<8x2048xf32, #tpu.memory_space<hbm>>
      tpu.wait_dma2 semaphore(%arg22 : memref<!tpu.dma_semaphore, #tpu.memory_space<semaphore_mem>>) src(%arg8 : memref<8x2048xf32, #tpu.memory_space<vmem>>) dst(%dma_wait3A_278 : memref<8x2048xf32, #tpu.memory_space<hbm>>)
      %add3A_279 = arith.constant 3 : i32
      %add3A_280 = arith.addi %add3A_254, %add3A_279 : i32
      %mul3A_281 = arith.constant 8 : i32
      %mul3A_282 = arith.muli %add3A_280, %mul3A_281 : i32
      %dma_start3A_283 = tpu.memref_slice %arg5[%mul3A_282] : memref<512xi32, #tpu.memory_space<vmem>> -> memref<8xi32, #tpu.memory_space<vmem>>
      %dma_start3A_284 = arith.constant 0 : i32
      %dma_start3A_285 = arith.constant 0 : i32
      %dma_start3A_286 = tpu.memref_slice %arg3[%dma_start3A_284, %dma_start3A_285] : memref<8192x2048xf32, #tpu.memory_space<hbm>> -> memref<8192x2048xf32, #tpu.memory_space<hbm>>
      tpu.enqueue_indirect_dma source(%dma_start3A_286 : memref<8192x2048xf32, #tpu.memory_space<hbm>>) target(%arg8 : memref<8x2048xf32, #tpu.memory_space<vmem>>) offsets(%dma_start3A_283 : memref<8xi32, #tpu.memory_space<vmem>>) semaphore(%arg15 : memref<!tpu.dma_semaphore, #tpu.memory_space<semaphore_mem>>)
      %add3A_287 = arith.constant 3 : i32
      %add3A_288 = arith.addi %add3A_185, %add3A_287 : i32
      %mul3A_289 = arith.constant 8 : i32
      %mul3A_290 = arith.muli %add3A_288, %mul3A_289 : i32
      %dma_wait3A_291 = tpu.memref_slice %arg5[%mul3A_290] : memref<512xi32, #tpu.memory_space<vmem>> -> memref<8xi32, #tpu.memory_space<vmem>>
      %dma_wait3A_292 = arith.constant 0 : i32
      %dma_wait3A_293 = arith.constant 0 : i32
      %dma_wait3A_294 = tpu.memref_slice %arg3[%dma_wait3A_292, %dma_wait3A_293] : memref<8192x2048xf32, #tpu.memory_space<hbm>> -> memref<8192x2048xf32, #tpu.memory_space<hbm>>
      tpu.wait_indirect_dma semaphore(%arg13 : memref<!tpu.dma_semaphore, #tpu.memory_space<semaphore_mem>>) src(%dma_wait3A_294 : memref<8192x2048xf32, #tpu.memory_space<hbm>>) dst(%arg6 : memref<8x2048xf32, #tpu.memory_space<vmem>>)
      %mul3A_295 = arith.constant 8 : i32
      %mul3A_296 = arith.muli %add3A_288, %mul3A_295 : i32
      %add3A_297 = arith.addi %mul3A_2, %mul3A_296 : i32
      %dma_start3A_298 = arith.constant 0 : i32
      %dma_start3A_299 = tpu.memref_slice %arg4[%add3A_297, %dma_start3A_298] : memref<16384x2048xf32, #tpu.memory_space<hbm>> -> memref<8x2048xf32, #tpu.memory_space<hbm>>
      %dma_start3A_300 = arith.constant 0 : i32
      %dma_start3A_301 = tpu.memref_slice %arg4[%add3A_297, %dma_start3A_300] : memref<16384x2048xf32, #tpu.memory_space<hbm>> -> memref<8x2048xf32, #tpu.memory_space<hbm>>
      tpu.enqueue_dma source(%arg6 : memref<8x2048xf32, #tpu.memory_space<vmem>>) target(%dma_start3A_301 : memref<8x2048xf32, #tpu.memory_space<hbm>>) target_semaphore(%arg20 : memref<!tpu.dma_semaphore, #tpu.memory_space<semaphore_mem>>)
      %add3A_302 = arith.constant 3 : i32
      %add3A_303 = arith.addi %add3A_288, %add3A_302 : i32
      %sub3A_304 = arith.constant 7 : i32
      %sub3A_305 = arith.subi %add3A_303, %sub3A_304 : i32
      %mul3A_306 = arith.constant 8 : i32
      %mul3A_307 = arith.muli %sub3A_305, %mul3A_306 : i32
      %add3A_308 = arith.addi %mul3A_2, %mul3A_307 : i32
      %dma_wait3A_309 = arith.constant 0 : i32
      %dma_wait3A_310 = tpu.memref_slice %arg4[%add3A_308, %dma_wait3A_309] : memref<16384x2048xf32, #tpu.memory_space<hbm>> -> memref<8x2048xf32, #tpu.memory_space<hbm>>
      %dma_wait3A_311 = arith.constant 0 : i32
      %dma_wait3A_312 = tpu.memref_slice %arg4[%add3A_308, %dma_wait3A_311] : memref<16384x2048xf32, #tpu.memory_space<hbm>> -> memref<8x2048xf32, #tpu.memory_space<hbm>>
      tpu.wait_dma2 semaphore(%arg23 : memref<!tpu.dma_semaphore, #tpu.memory_space<semaphore_mem>>) src(%arg9 : memref<8x2048xf32, #tpu.memory_space<vmem>>) dst(%dma_wait3A_312 : memref<8x2048xf32, #tpu.memory_space<hbm>>)
      %add3A_313 = arith.constant 3 : i32
      %add3A_314 = arith.addi %add3A_288, %add3A_313 : i32
      %mul3A_315 = arith.constant 8 : i32
      %mul3A_316 = arith.muli %add3A_314, %mul3A_315 : i32
      %dma_start3A_317 = tpu.memref_slice %arg5[%mul3A_316] : memref<512xi32, #tpu.memory_space<vmem>> -> memref<8xi32, #tpu.memory_space<vmem>>
      %dma_start3A_318 = arith.constant 0 : i32
      %dma_start3A_319 = arith.constant 0 : i32
      %dma_start3A_320 = tpu.memref_slice %arg3[%dma_start3A_318, %dma_start3A_319] : memref<8192x2048xf32, #tpu.memory_space<hbm>> -> memref<8192x2048xf32, #tpu.memory_space<hbm>>
      tpu.enqueue_indirect_dma source(%dma_start3A_320 : memref<8192x2048xf32, #tpu.memory_space<hbm>>) target(%arg9 : memref<8x2048xf32, #tpu.memory_space<vmem>>) offsets(%dma_start3A_317 : memref<8xi32, #tpu.memory_space<vmem>>) semaphore(%arg16 : memref<!tpu.dma_semaphore, #tpu.memory_space<semaphore_mem>>)
      %add3A_321 = arith.constant 4 : i32
      %add3A_322 = arith.addi %add3A_185, %add3A_321 : i32
      %mul3A_323 = arith.constant 8 : i32
      %mul3A_324 = arith.muli %add3A_322, %mul3A_323 : i32
      %dma_wait3A_325 = tpu.memref_slice %arg5[%mul3A_324] : memref<512xi32, #tpu.memory_space<vmem>> -> memref<8xi32, #tpu.memory_space<vmem>>
      %dma_wait3A_326 = arith.constant 0 : i32
      %dma_wait3A_327 = arith.constant 0 : i32
      %dma_wait3A_328 = tpu.memref_slice %arg3[%dma_wait3A_326, %dma_wait3A_327] : memref<8192x2048xf32, #tpu.memory_space<hbm>> -> memref<8192x2048xf32, #tpu.memory_space<hbm>>
      tpu.wait_indirect_dma semaphore(%arg14 : memref<!tpu.dma_semaphore, #tpu.memory_space<semaphore_mem>>) src(%dma_wait3A_328 : memref<8192x2048xf32, #tpu.memory_space<hbm>>) dst(%arg7 : memref<8x2048xf32, #tpu.memory_space<vmem>>)
      %mul3A_329 = arith.constant 8 : i32
      %mul3A_330 = arith.muli %add3A_322, %mul3A_329 : i32
      %add3A_331 = arith.addi %mul3A_2, %mul3A_330 : i32
      %dma_start3A_332 = arith.constant 0 : i32
      %dma_start3A_333 = tpu.memref_slice %arg4[%add3A_331, %dma_start3A_332] : memref<16384x2048xf32, #tpu.memory_space<hbm>> -> memref<8x2048xf32, #tpu.memory_space<hbm>>
      %dma_start3A_334 = arith.constant 0 : i32
      %dma_start3A_335 = tpu.memref_slice %arg4[%add3A_331, %dma_start3A_334] : memref<16384x2048xf32, #tpu.memory_space<hbm>> -> memref<8x2048xf32, #tpu.memory_space<hbm>>
      tpu.enqueue_dma source(%arg7 : memref<8x2048xf32, #tpu.memory_space<vmem>>) target(%dma_start3A_335 : memref<8x2048xf32, #tpu.memory_space<hbm>>) target_semaphore(%arg21 : memref<!tpu.dma_semaphore, #tpu.memory_space<semaphore_mem>>)
      %add3A_336 = arith.constant 3 : i32
      %add3A_337 = arith.addi %add3A_322, %add3A_336 : i32
      %sub3A_338 = arith.constant 7 : i32
      %sub3A_339 = arith.subi %add3A_337, %sub3A_338 : i32
      %mul3A_340 = arith.constant 8 : i32
      %mul3A_341 = arith.muli %sub3A_339, %mul3A_340 : i32
      %add3A_342 = arith.addi %mul3A_2, %mul3A_341 : i32
      %dma_wait3A_343 = arith.constant 0 : i32
      %dma_wait3A_344 = tpu.memref_slice %arg4[%add3A_342, %dma_wait3A_343] : memref<16384x2048xf32, #tpu.memory_space<hbm>> -> memref<8x2048xf32, #tpu.memory_space<hbm>>
      %dma_wait3A_345 = arith.constant 0 : i32
      %dma_wait3A_346 = tpu.memref_slice %arg4[%add3A_342, %dma_wait3A_345] : memref<16384x2048xf32, #tpu.memory_space<hbm>> -> memref<8x2048xf32, #tpu.memory_space<hbm>>
      tpu.wait_dma2 semaphore(%arg24 : memref<!tpu.dma_semaphore, #tpu.memory_space<semaphore_mem>>) src(%arg10 : memref<8x2048xf32, #tpu.memory_space<vmem>>) dst(%dma_wait3A_346 : memref<8x2048xf32, #tpu.memory_space<hbm>>)
      %add3A_347 = arith.constant 3 : i32
      %add3A_348 = arith.addi %add3A_322, %add3A_347 : i32
      %mul3A_349 = arith.constant 8 : i32
      %mul3A_350 = arith.muli %add3A_348, %mul3A_349 : i32
      %dma_start3A_351 = tpu.memref_slice %arg5[%mul3A_350] : memref<512xi32, #tpu.memory_space<vmem>> -> memref<8xi32, #tpu.memory_space<vmem>>
      %dma_start3A_352 = arith.constant 0 : i32
      %dma_start3A_353 = arith.constant 0 : i32
      %dma_start3A_354 = tpu.memref_slice %arg3[%dma_start3A_352, %dma_start3A_353] : memref<8192x2048xf32, #tpu.memory_space<hbm>> -> memref<8192x2048xf32, #tpu.memory_space<hbm>>
      tpu.enqueue_indirect_dma source(%dma_start3A_354 : memref<8192x2048xf32, #tpu.memory_space<hbm>>) target(%arg10 : memref<8x2048xf32, #tpu.memory_space<vmem>>) offsets(%dma_start3A_351 : memref<8xi32, #tpu.memory_space<vmem>>) semaphore(%arg17 : memref<!tpu.dma_semaphore, #tpu.memory_space<semaphore_mem>>)
      %add3A_355 = arith.constant 5 : i32
      %add3A_356 = arith.addi %add3A_185, %add3A_355 : i32
      %mul3A_357 = arith.constant 8 : i32
      %mul3A_358 = arith.muli %add3A_356, %mul3A_357 : i32
      %dma_wait3A_359 = tpu.memref_slice %arg5[%mul3A_358] : memref<512xi32, #tpu.memory_space<vmem>> -> memref<8xi32, #tpu.memory_space<vmem>>
      %dma_wait3A_360 = arith.constant 0 : i32
      %dma_wait3A_361 = arith.constant 0 : i32
      %dma_wait3A_362 = tpu.memref_slice %arg3[%dma_wait3A_360, %dma_wait3A_361] : memref<8192x2048xf32, #tpu.memory_space<hbm>> -> memref<8192x2048xf32, #tpu.memory_space<hbm>>
      tpu.wait_indirect_dma semaphore(%arg15 : memref<!tpu.dma_semaphore, #tpu.memory_space<semaphore_mem>>) src(%dma_wait3A_362 : memref<8192x2048xf32, #tpu.memory_space<hbm>>) dst(%arg8 : memref<8x2048xf32, #tpu.memory_space<vmem>>)
      %mul3A_363 = arith.constant 8 : i32
      %mul3A_364 = arith.muli %add3A_356, %mul3A_363 : i32
      %add3A_365 = arith.addi %mul3A_2, %mul3A_364 : i32
      %dma_start3A_366 = arith.constant 0 : i32
      %dma_start3A_367 = tpu.memref_slice %arg4[%add3A_365, %dma_start3A_366] : memref<16384x2048xf32, #tpu.memory_space<hbm>> -> memref<8x2048xf32, #tpu.memory_space<hbm>>
      %dma_start3A_368 = arith.constant 0 : i32
      %dma_start3A_369 = tpu.memref_slice %arg4[%add3A_365, %dma_start3A_368] : memref<16384x2048xf32, #tpu.memory_space<hbm>> -> memref<8x2048xf32, #tpu.memory_space<hbm>>
      tpu.enqueue_dma source(%arg8 : memref<8x2048xf32, #tpu.memory_space<vmem>>) target(%dma_start3A_369 : memref<8x2048xf32, #tpu.memory_space<hbm>>) target_semaphore(%arg22 : memref<!tpu.dma_semaphore, #tpu.memory_space<semaphore_mem>>)
      %add3A_370 = arith.constant 3 : i32
      %add3A_371 = arith.addi %add3A_356, %add3A_370 : i32
      %sub3A_372 = arith.constant 7 : i32
      %sub3A_373 = arith.subi %add3A_371, %sub3A_372 : i32
      %mul3A_374 = arith.constant 8 : i32
      %mul3A_375 = arith.muli %sub3A_373, %mul3A_374 : i32
      %add3A_376 = arith.addi %mul3A_2, %mul3A_375 : i32
      %dma_wait3A_377 = arith.constant 0 : i32
      %dma_wait3A_378 = tpu.memref_slice %arg4[%add3A_376, %dma_wait3A_377] : memref<16384x2048xf32, #tpu.memory_space<hbm>> -> memref<8x2048xf32, #tpu.memory_space<hbm>>
      %dma_wait3A_379 = arith.constant 0 : i32
      %dma_wait3A_380 = tpu.memref_slice %arg4[%add3A_376, %dma_wait3A_379] : memref<16384x2048xf32, #tpu.memory_space<hbm>> -> memref<8x2048xf32, #tpu.memory_space<hbm>>
      tpu.wait_dma2 semaphore(%arg25 : memref<!tpu.dma_semaphore, #tpu.memory_space<semaphore_mem>>) src(%arg11 : memref<8x2048xf32, #tpu.memory_space<vmem>>) dst(%dma_wait3A_380 : memref<8x2048xf32, #tpu.memory_space<hbm>>)
      %add3A_381 = arith.constant 3 : i32
      %add3A_382 = arith.addi %add3A_356, %add3A_381 : i32
      %mul3A_383 = arith.constant 8 : i32
      %mul3A_384 = arith.muli %add3A_382, %mul3A_383 : i32
      %dma_start3A_385 = tpu.memref_slice %arg5[%mul3A_384] : memref<512xi32, #tpu.memory_space<vmem>> -> memref<8xi32, #tpu.memory_space<vmem>>
      %dma_start3A_386 = arith.constant 0 : i32
      %dma_start3A_387 = arith.constant 0 : i32
      %dma_start3A_388 = tpu.memref_slice %arg3[%dma_start3A_386, %dma_start3A_387] : memref<8192x2048xf32, #tpu.memory_space<hbm>> -> memref<8192x2048xf32, #tpu.memory_space<hbm>>
      tpu.enqueue_indirect_dma source(%dma_start3A_388 : memref<8192x2048xf32, #tpu.memory_space<hbm>>) target(%arg11 : memref<8x2048xf32, #tpu.memory_space<vmem>>) offsets(%dma_start3A_385 : memref<8xi32, #tpu.memory_space<vmem>>) semaphore(%arg18 : memref<!tpu.dma_semaphore, #tpu.memory_space<semaphore_mem>>)
      %add3A_389 = arith.constant 6 : i32
      %add3A_390 = arith.addi %add3A_185, %add3A_389 : i32
      %mul3A_391 = arith.constant 8 : i32
      %mul3A_392 = arith.muli %add3A_390, %mul3A_391 : i32
      %dma_wait3A_393 = tpu.memref_slice %arg5[%mul3A_392] : memref<512xi32, #tpu.memory_space<vmem>> -> memref<8xi32, #tpu.memory_space<vmem>>
      %dma_wait3A_394 = arith.constant 0 : i32
      %dma_wait3A_395 = arith.constant 0 : i32
      %dma_wait3A_396 = tpu.memref_slice %arg3[%dma_wait3A_394, %dma_wait3A_395] : memref<8192x2048xf32, #tpu.memory_space<hbm>> -> memref<8192x2048xf32, #tpu.memory_space<hbm>>
      tpu.wait_indirect_dma semaphore(%arg16 : memref<!tpu.dma_semaphore, #tpu.memory_space<semaphore_mem>>) src(%dma_wait3A_396 : memref<8192x2048xf32, #tpu.memory_space<hbm>>) dst(%arg9 : memref<8x2048xf32, #tpu.memory_space<vmem>>)
      %mul3A_397 = arith.constant 8 : i32
      %mul3A_398 = arith.muli %add3A_390, %mul3A_397 : i32
      %add3A_399 = arith.addi %mul3A_2, %mul3A_398 : i32
      %dma_start3A_400 = arith.constant 0 : i32
      %dma_start3A_401 = tpu.memref_slice %arg4[%add3A_399, %dma_start3A_400] : memref<16384x2048xf32, #tpu.memory_space<hbm>> -> memref<8x2048xf32, #tpu.memory_space<hbm>>
      %dma_start3A_402 = arith.constant 0 : i32
      %dma_start3A_403 = tpu.memref_slice %arg4[%add3A_399, %dma_start3A_402] : memref<16384x2048xf32, #tpu.memory_space<hbm>> -> memref<8x2048xf32, #tpu.memory_space<hbm>>
      tpu.enqueue_dma source(%arg9 : memref<8x2048xf32, #tpu.memory_space<vmem>>) target(%dma_start3A_403 : memref<8x2048xf32, #tpu.memory_space<hbm>>) target_semaphore(%arg23 : memref<!tpu.dma_semaphore, #tpu.memory_space<semaphore_mem>>)
      %add3A_404 = arith.constant 3 : i32
      %add3A_405 = arith.addi %add3A_390, %add3A_404 : i32
      %sub3A_406 = arith.constant 7 : i32
      %sub3A_407 = arith.subi %add3A_405, %sub3A_406 : i32
      %mul3A_408 = arith.constant 8 : i32
      %mul3A_409 = arith.muli %sub3A_407, %mul3A_408 : i32
      %add3A_410 = arith.addi %mul3A_2, %mul3A_409 : i32
      %dma_wait3A_411 = arith.constant 0 : i32
      %dma_wait3A_412 = tpu.memref_slice %arg4[%add3A_410, %dma_wait3A_411] : memref<16384x2048xf32, #tpu.memory_space<hbm>> -> memref<8x2048xf32, #tpu.memory_space<hbm>>
      %dma_wait3A_413 = arith.constant 0 : i32
      %dma_wait3A_414 = tpu.memref_slice %arg4[%add3A_410, %dma_wait3A_413] : memref<16384x2048xf32, #tpu.memory_space<hbm>> -> memref<8x2048xf32, #tpu.memory_space<hbm>>
      tpu.wait_dma2 semaphore(%arg26 : memref<!tpu.dma_semaphore, #tpu.memory_space<semaphore_mem>>) src(%arg12 : memref<8x2048xf32, #tpu.memory_space<vmem>>) dst(%dma_wait3A_414 : memref<8x2048xf32, #tpu.memory_space<hbm>>)
      %add3A_415 = arith.constant 3 : i32
      %add3A_416 = arith.addi %add3A_390, %add3A_415 : i32
      %mul3A_417 = arith.constant 8 : i32
      %mul3A_418 = arith.muli %add3A_416, %mul3A_417 : i32
      %dma_start3A_419 = tpu.memref_slice %arg5[%mul3A_418] : memref<512xi32, #tpu.memory_space<vmem>> -> memref<8xi32, #tpu.memory_space<vmem>>
      %dma_start3A_420 = arith.constant 0 : i32
      %dma_start3A_421 = arith.constant 0 : i32
      %dma_start3A_422 = tpu.memref_slice %arg3[%dma_start3A_420, %dma_start3A_421] : memref<8192x2048xf32, #tpu.memory_space<hbm>> -> memref<8192x2048xf32, #tpu.memory_space<hbm>>
      tpu.enqueue_indirect_dma source(%dma_start3A_422 : memref<8192x2048xf32, #tpu.memory_space<hbm>>) target(%arg12 : memref<8x2048xf32, #tpu.memory_space<vmem>>) offsets(%dma_start3A_419 : memref<8xi32, #tpu.memory_space<vmem>>) semaphore(%arg19 : memref<!tpu.dma_semaphore, #tpu.memory_space<semaphore_mem>>)
    }
    %scan3A_83 = arith.constant 8 : i32
    %dma_wait3A_84 = arith.constant 480 : i32
    %dma_wait3A_85 = tpu.memref_slice %arg5[%dma_wait3A_84] : memref<512xi32, #tpu.memory_space<vmem>> -> memref<8xi32, #tpu.memory_space<vmem>>
    %dma_wait3A_86 = arith.constant 0 : i32
    %dma_wait3A_87 = arith.constant 0 : i32
    %dma_wait3A_88 = tpu.memref_slice %arg3[%dma_wait3A_86, %dma_wait3A_87] : memref<8192x2048xf32, #tpu.memory_space<hbm>> -> memref<8192x2048xf32, #tpu.memory_space<hbm>>
    tpu.wait_indirect_dma semaphore(%arg17 : memref<!tpu.dma_semaphore, #tpu.memory_space<semaphore_mem>>) src(%dma_wait3A_88 : memref<8192x2048xf32, #tpu.memory_space<hbm>>) dst(%arg10 : memref<8x2048xf32, #tpu.memory_space<vmem>>)
    %add3A_89 = arith.constant 480 : i32
    %add3A_90 = arith.addi %mul3A_2, %add3A_89 : i32
    %dma_start3A_91 = arith.constant 0 : i32
    %dma_start3A_92 = tpu.memref_slice %arg4[%add3A_90, %dma_start3A_91] : memref<16384x2048xf32, #tpu.memory_space<hbm>> -> memref<8x2048xf32, #tpu.memory_space<hbm>>
    %dma_start3A_93 = arith.constant 0 : i32
    %dma_start3A_94 = tpu.memref_slice %arg4[%add3A_90, %dma_start3A_93] : memref<16384x2048xf32, #tpu.memory_space<hbm>> -> memref<8x2048xf32, #tpu.memory_space<hbm>>
    tpu.enqueue_dma source(%arg10 : memref<8x2048xf32, #tpu.memory_space<vmem>>) target(%dma_start3A_94 : memref<8x2048xf32, #tpu.memory_space<hbm>>) target_semaphore(%arg24 : memref<!tpu.dma_semaphore, #tpu.memory_space<semaphore_mem>>)
    %add3A_95 = arith.constant 448 : i32
    %add3A_96 = arith.addi %mul3A_2, %add3A_95 : i32
    %dma_wait3A_97 = arith.constant 0 : i32
    %dma_wait3A_98 = tpu.memref_slice %arg4[%add3A_96, %dma_wait3A_97] : memref<16384x2048xf32, #tpu.memory_space<hbm>> -> memref<8x2048xf32, #tpu.memory_space<hbm>>
    %dma_wait3A_99 = arith.constant 0 : i32
    %dma_wait3A_100 = tpu.memref_slice %arg4[%add3A_96, %dma_wait3A_99] : memref<16384x2048xf32, #tpu.memory_space<hbm>> -> memref<8x2048xf32, #tpu.memory_space<hbm>>
    tpu.wait_dma2 semaphore(%arg20 : memref<!tpu.dma_semaphore, #tpu.memory_space<semaphore_mem>>) src(%arg6 : memref<8x2048xf32, #tpu.memory_space<vmem>>) dst(%dma_wait3A_100 : memref<8x2048xf32, #tpu.memory_space<hbm>>)
    %dma_start3A_101 = arith.constant 504 : i32
    %dma_start3A_102 = tpu.memref_slice %arg5[%dma_start3A_101] : memref<512xi32, #tpu.memory_space<vmem>> -> memref<8xi32, #tpu.memory_space<vmem>>
    %dma_start3A_103 = arith.constant 0 : i32
    %dma_start3A_104 = arith.constant 0 : i32
    %dma_start3A_105 = tpu.memref_slice %arg3[%dma_start3A_103, %dma_start3A_104] : memref<8192x2048xf32, #tpu.memory_space<hbm>> -> memref<8192x2048xf32, #tpu.memory_space<hbm>>
    tpu.enqueue_indirect_dma source(%dma_start3A_105 : memref<8192x2048xf32, #tpu.memory_space<hbm>>) target(%arg6 : memref<8x2048xf32, #tpu.memory_space<vmem>>) offsets(%dma_start3A_102 : memref<8xi32, #tpu.memory_space<vmem>>) semaphore(%arg13 : memref<!tpu.dma_semaphore, #tpu.memory_space<semaphore_mem>>)
    %dma_wait3A_106 = arith.constant 488 : i32
    %dma_wait3A_107 = tpu.memref_slice %arg5[%dma_wait3A_106] : memref<512xi32, #tpu.memory_space<vmem>> -> memref<8xi32, #tpu.memory_space<vmem>>
    %dma_wait3A_108 = arith.constant 0 : i32
    %dma_wait3A_109 = arith.constant 0 : i32
    %dma_wait3A_110 = tpu.memref_slice %arg3[%dma_wait3A_108, %dma_wait3A_109] : memref<8192x2048xf32, #tpu.memory_space<hbm>> -> memref<8192x2048xf32, #tpu.memory_space<hbm>>
    tpu.wait_indirect_dma semaphore(%arg18 : memref<!tpu.dma_semaphore, #tpu.memory_space<semaphore_mem>>) src(%dma_wait3A_110 : memref<8192x2048xf32, #tpu.memory_space<hbm>>) dst(%arg11 : memref<8x2048xf32, #tpu.memory_space<vmem>>)
    %add3A_111 = arith.constant 488 : i32
    %add3A_112 = arith.addi %mul3A_2, %add3A_111 : i32
    %dma_start3A_113 = arith.constant 0 : i32
    %dma_start3A_114 = tpu.memref_slice %arg4[%add3A_112, %dma_start3A_113] : memref<16384x2048xf32, #tpu.memory_space<hbm>> -> memref<8x2048xf32, #tpu.memory_space<hbm>>
    %dma_start3A_115 = arith.constant 0 : i32
    %dma_start3A_116 = tpu.memref_slice %arg4[%add3A_112, %dma_start3A_115] : memref<16384x2048xf32, #tpu.memory_space<hbm>> -> memref<8x2048xf32, #tpu.memory_space<hbm>>
    tpu.enqueue_dma source(%arg11 : memref<8x2048xf32, #tpu.memory_space<vmem>>) target(%dma_start3A_116 : memref<8x2048xf32, #tpu.memory_space<hbm>>) target_semaphore(%arg25 : memref<!tpu.dma_semaphore, #tpu.memory_space<semaphore_mem>>)
    %add3A_117 = arith.constant 456 : i32
    %add3A_118 = arith.addi %mul3A_2, %add3A_117 : i32
    %dma_wait3A_119 = arith.constant 0 : i32
    %dma_wait3A_120 = tpu.memref_slice %arg4[%add3A_118, %dma_wait3A_119] : memref<16384x2048xf32, #tpu.memory_space<hbm>> -> memref<8x2048xf32, #tpu.memory_space<hbm>>
    %dma_wait3A_121 = arith.constant 0 : i32
    %dma_wait3A_122 = tpu.memref_slice %arg4[%add3A_118, %dma_wait3A_121] : memref<16384x2048xf32, #tpu.memory_space<hbm>> -> memref<8x2048xf32, #tpu.memory_space<hbm>>
    tpu.wait_dma2 semaphore(%arg21 : memref<!tpu.dma_semaphore, #tpu.memory_space<semaphore_mem>>) src(%arg7 : memref<8x2048xf32, #tpu.memory_space<vmem>>) dst(%dma_wait3A_122 : memref<8x2048xf32, #tpu.memory_space<hbm>>)
    %dma_wait3A_123 = arith.constant 496 : i32
    %dma_wait3A_124 = tpu.memref_slice %arg5[%dma_wait3A_123] : memref<512xi32, #tpu.memory_space<vmem>> -> memref<8xi32, #tpu.memory_space<vmem>>
    %dma_wait3A_125 = arith.constant 0 : i32
    %dma_wait3A_126 = arith.constant 0 : i32
    %dma_wait3A_127 = tpu.memref_slice %arg3[%dma_wait3A_125, %dma_wait3A_126] : memref<8192x2048xf32, #tpu.memory_space<hbm>> -> memref<8192x2048xf32, #tpu.memory_space<hbm>>
    tpu.wait_indirect_dma semaphore(%arg19 : memref<!tpu.dma_semaphore, #tpu.memory_space<semaphore_mem>>) src(%dma_wait3A_127 : memref<8192x2048xf32, #tpu.memory_space<hbm>>) dst(%arg12 : memref<8x2048xf32, #tpu.memory_space<vmem>>)
    %add3A_128 = arith.constant 496 : i32
    %add3A_129 = arith.addi %mul3A_2, %add3A_128 : i32
    %dma_start3A_130 = arith.constant 0 : i32
    %dma_start3A_131 = tpu.memref_slice %arg4[%add3A_129, %dma_start3A_130] : memref<16384x2048xf32, #tpu.memory_space<hbm>> -> memref<8x2048xf32, #tpu.memory_space<hbm>>
    %dma_start3A_132 = arith.constant 0 : i32
    %dma_start3A_133 = tpu.memref_slice %arg4[%add3A_129, %dma_start3A_132] : memref<16384x2048xf32, #tpu.memory_space<hbm>> -> memref<8x2048xf32, #tpu.memory_space<hbm>>
    tpu.enqueue_dma source(%arg12 : memref<8x2048xf32, #tpu.memory_space<vmem>>) target(%dma_start3A_133 : memref<8x2048xf32, #tpu.memory_space<hbm>>) target_semaphore(%arg26 : memref<!tpu.dma_semaphore, #tpu.memory_space<semaphore_mem>>)
    %add3A_134 = arith.constant 464 : i32
    %add3A_135 = arith.addi %mul3A_2, %add3A_134 : i32
    %dma_wait3A_136 = arith.constant 0 : i32
    %dma_wait3A_137 = tpu.memref_slice %arg4[%add3A_135, %dma_wait3A_136] : memref<16384x2048xf32, #tpu.memory_space<hbm>> -> memref<8x2048xf32, #tpu.memory_space<hbm>>
    %dma_wait3A_138 = arith.constant 0 : i32
    %dma_wait3A_139 = tpu.memref_slice %arg4[%add3A_135, %dma_wait3A_138] : memref<16384x2048xf32, #tpu.memory_space<hbm>> -> memref<8x2048xf32, #tpu.memory_space<hbm>>
    tpu.wait_dma2 semaphore(%arg22 : memref<!tpu.dma_semaphore, #tpu.memory_space<semaphore_mem>>) src(%arg8 : memref<8x2048xf32, #tpu.memory_space<vmem>>) dst(%dma_wait3A_139 : memref<8x2048xf32, #tpu.memory_space<hbm>>)
    %dma_wait3A_140 = arith.constant 504 : i32
    %dma_wait3A_141 = tpu.memref_slice %arg5[%dma_wait3A_140] : memref<512xi32, #tpu.memory_space<vmem>> -> memref<8xi32, #tpu.memory_space<vmem>>
    %dma_wait3A_142 = arith.constant 0 : i32
    %dma_wait3A_143 = arith.constant 0 : i32
    %dma_wait3A_144 = tpu.memref_slice %arg3[%dma_wait3A_142, %dma_wait3A_143] : memref<8192x2048xf32, #tpu.memory_space<hbm>> -> memref<8192x2048xf32, #tpu.memory_space<hbm>>
    tpu.wait_indirect_dma semaphore(%arg13 : memref<!tpu.dma_semaphore, #tpu.memory_space<semaphore_mem>>) src(%dma_wait3A_144 : memref<8192x2048xf32, #tpu.memory_space<hbm>>) dst(%arg6 : memref<8x2048xf32, #tpu.memory_space<vmem>>)
    %add3A_145 = arith.constant 504 : i32
    %add3A_146 = arith.addi %mul3A_2, %add3A_145 : i32
    %dma_start3A_147 = arith.constant 0 : i32
    %dma_start3A_148 = tpu.memref_slice %arg4[%add3A_146, %dma_start3A_147] : memref<16384x2048xf32, #tpu.memory_space<hbm>> -> memref<8x2048xf32, #tpu.memory_space<hbm>>
    %dma_start3A_149 = arith.constant 0 : i32
    %dma_start3A_150 = tpu.memref_slice %arg4[%add3A_146, %dma_start3A_149] : memref<16384x2048xf32, #tpu.memory_space<hbm>> -> memref<8x2048xf32, #tpu.memory_space<hbm>>
    tpu.enqueue_dma source(%arg6 : memref<8x2048xf32, #tpu.memory_space<vmem>>) target(%dma_start3A_150 : memref<8x2048xf32, #tpu.memory_space<hbm>>) target_semaphore(%arg20 : memref<!tpu.dma_semaphore, #tpu.memory_space<semaphore_mem>>)
    %add3A_151 = arith.constant 472 : i32
    %add3A_152 = arith.addi %mul3A_2, %add3A_151 : i32
    %dma_wait3A_153 = arith.constant 0 : i32
    %dma_wait3A_154 = tpu.memref_slice %arg4[%add3A_152, %dma_wait3A_153] : memref<16384x2048xf32, #tpu.memory_space<hbm>> -> memref<8x2048xf32, #tpu.memory_space<hbm>>
    %dma_wait3A_155 = arith.constant 0 : i32
    %dma_wait3A_156 = tpu.memref_slice %arg4[%add3A_152, %dma_wait3A_155] : memref<16384x2048xf32, #tpu.memory_space<hbm>> -> memref<8x2048xf32, #tpu.memory_space<hbm>>
    tpu.wait_dma2 semaphore(%arg23 : memref<!tpu.dma_semaphore, #tpu.memory_space<semaphore_mem>>) src(%arg9 : memref<8x2048xf32, #tpu.memory_space<vmem>>) dst(%dma_wait3A_156 : memref<8x2048xf32, #tpu.memory_space<hbm>>)
    %add3A_157 = arith.constant 480 : i32
    %add3A_158 = arith.addi %mul3A_2, %add3A_157 : i32
    %dma_wait3A_159 = arith.constant 0 : i32
    %dma_wait3A_160 = tpu.memref_slice %arg4[%add3A_158, %dma_wait3A_159] : memref<16384x2048xf32, #tpu.memory_space<hbm>> -> memref<8x2048xf32, #tpu.memory_space<hbm>>
    %dma_wait3A_161 = arith.constant 0 : i32
    %dma_wait3A_162 = tpu.memref_slice %arg4[%add3A_158, %dma_wait3A_161] : memref<16384x2048xf32, #tpu.memory_space<hbm>> -> memref<8x2048xf32, #tpu.memory_space<hbm>>
    tpu.wait_dma2 semaphore(%arg24 : memref<!tpu.dma_semaphore, #tpu.memory_space<semaphore_mem>>) src(%arg10 : memref<8x2048xf32, #tpu.memory_space<vmem>>) dst(%dma_wait3A_162 : memref<8x2048xf32, #tpu.memory_space<hbm>>)
    %add3A_163 = arith.constant 488 : i32
    %add3A_164 = arith.addi %mul3A_2, %add3A_163 : i32
    %dma_wait3A_165 = arith.constant 0 : i32
    %dma_wait3A_166 = tpu.memref_slice %arg4[%add3A_164, %dma_wait3A_165] : memref<16384x2048xf32, #tpu.memory_space<hbm>> -> memref<8x2048xf32, #tpu.memory_space<hbm>>
    %dma_wait3A_167 = arith.constant 0 : i32
    %dma_wait3A_168 = tpu.memref_slice %arg4[%add3A_164, %dma_wait3A_167] : memref<16384x2048xf32, #tpu.memory_space<hbm>> -> memref<8x2048xf32, #tpu.memory_space<hbm>>
    tpu.wait_dma2 semaphore(%arg25 : memref<!tpu.dma_semaphore, #tpu.memory_space<semaphore_mem>>) src(%arg11 : memref<8x2048xf32, #tpu.memory_space<vmem>>) dst(%dma_wait3A_168 : memref<8x2048xf32, #tpu.memory_space<hbm>>)
    %add3A_169 = arith.constant 496 : i32
    %add3A_170 = arith.addi %mul3A_2, %add3A_169 : i32
    %dma_wait3A_171 = arith.constant 0 : i32
    %dma_wait3A_172 = tpu.memref_slice %arg4[%add3A_170, %dma_wait3A_171] : memref<16384x2048xf32, #tpu.memory_space<hbm>> -> memref<8x2048xf32, #tpu.memory_space<hbm>>
    %dma_wait3A_173 = arith.constant 0 : i32
    %dma_wait3A_174 = tpu.memref_slice %arg4[%add3A_170, %dma_wait3A_173] : memref<16384x2048xf32, #tpu.memory_space<hbm>> -> memref<8x2048xf32, #tpu.memory_space<hbm>>
    tpu.wait_dma2 semaphore(%arg26 : memref<!tpu.dma_semaphore, #tpu.memory_space<semaphore_mem>>) src(%arg12 : memref<8x2048xf32, #tpu.memory_space<vmem>>) dst(%dma_wait3A_174 : memref<8x2048xf32, #tpu.memory_space<hbm>>)
    %add3A_175 = arith.constant 504 : i32
    %add3A_176 = arith.addi %mul3A_2, %add3A_175 : i32
    %dma_wait3A_177 = arith.constant 0 : i32
    %dma_wait3A_178 = tpu.memref_slice %arg4[%add3A_176, %dma_wait3A_177] : memref<16384x2048xf32, #tpu.memory_space<hbm>> -> memref<8x2048xf32, #tpu.memory_space<hbm>>
    %dma_wait3A_179 = arith.constant 0 : i32
    %dma_wait3A_180 = tpu.memref_slice %arg4[%add3A_176, %dma_wait3A_179] : memref<16384x2048xf32, #tpu.memory_space<hbm>> -> memref<8x2048xf32, #tpu.memory_space<hbm>>
    tpu.wait_dma2 semaphore(%arg20 : memref<!tpu.dma_semaphore, #tpu.memory_space<semaphore_mem>>) src(%arg6 : memref<8x2048xf32, #tpu.memory_space<vmem>>) dst(%dma_wait3A_180 : memref<8x2048xf32, #tpu.memory_space<hbm>>)
    return
  }
}

</mosaic_0001>

<sc_bundles>
// kernel: kernel.3.cloned.1.call-start
scs
__scs_entry_jumppad:
0x0: {  	(pc) =	sbr.rel $0x88, $3  }
0x1: {  	(tag) =	ssettag $0x0;
	lr =	simm.s32 $0x1  }
0x2: {  	[smem:$0x3F9F] =	sst lr;
	_ =	strace $0xD0000000  }
0x3: {  	_ = 	snop  }
0x4: {  	_ = 	snop  }
0x5: {  	_ = 	snop  }
0x6: {  	_ = 	snop  }
0x7: {  	_ = 	snop  }
__scs_overlays_trampoline_lowered:
0x8: {  	[smem:$0x3FAE] =	sst s0  }
0x9: {  	[smem:$0x3FAF] =	sst s1  }
0xa: {  	[smem:$0x3FB0] =	sst s2  }
0xb: {  	[smem:$0x3FB1] =	sst s3  }
0xc: {  	[smem:$0x3FB2] =	sst s4  }
0xd: {  	[smem:$0x3FB3] =	sst s5  }
0xe: {  	[smem:$0x3FB4] =	sst s6  }
0xf: {  	[smem:$0x3FB5] =	sst s7  }
0x10: {  	[smem:$0x3FB6] =	sst s8  }
0x11: {  	[smem:$0x3FB7] =	sst s9;
	s0 =	simm.s32 @!p0 $0x0  }
0x12: {  	s1 =	sld [smem:$0x3F9D];
	s0 =	simm.s32 @p0 $0x1  }
0x13: {  	[smem:$0x3FB8] =	sst s0;
	s0 =	simm.s32 @!p1 $0x0  }
0x14: {  	s2 =	sld [smem:$0x3F9C];
	s0 =	simm.s32 @p1 $0x1  }
0x15: {  	[smem:$0x3FB9] =	sst s0;
	s0 =	simm.s32 @!p2 $0x0  }
0x16: {  	s3 =	sld [smem:$0x3FDB];
	s0 =	simm.s32 @p2 $0x1  }
0x17: {  	s4 =	simm.s32 $0x1BF5;
	[smem:$0x3FBB] =	sst s0  }
0x18: {  	s0 =	sld [smem:$0x3F9E];
	_ =	swait.ge [sflag:s4], $0x0  }
0x19: {  	s7 =	sld [smem:$0x3F9F]  }
0x1a: {  	s8 =	sadd.s32 $0xFFFFE003, lr  }
0x1b: {  	s9 =	sadd.s32 $0xFFFFFEF7, lr;
	s5 =	simm.s32 $0xFFFFFFFF;
	p2 =	slt.u32 s8, $0xFFFFF086  }
0x1c: {  	p1 =	slt.u32 s9, $0xF7A;
	s5 =	simm.s32 @!p2 $0x0  }
0x1d: {  	s5 =	simm.s32 @p1 $0x1;
	p0 =	seq.s32 s7, s2  }
0x1e: {  	s7 =	smul.u32 @!p0 $0xF7A, s2;
	p2 =	seq.s32 @!p0 s5, $0x0  }
0x1f: {  	s9 =	smul.u32 $0xF7A, s1;
	s8 =	simm.s32 @!p0 $0x1BF5;
	p2 =	por !p2, p0  }
0x20: {  	[sflag:s8] =	ssyncset.s32 @!p0 $0xFFFFF086;
	s6 =	sadd.s32 @!p0 s3, s7;
	s7 =	simm.s32 @!p0 $0x108  }
0x21: {  	s3 =	sadd.s32 s3, s9;
	s6 =	sadd.s32 @!p0 $0x88, s6;
	s7 =	simm.s32 @p2 $0x1082  }
0x22: {  	[simem:s7], [sflag:s8] =	dma.local @!p0 [hbm:s6], $0xF7A  }
0x23: {  	s9 =	sor.u32 $0xD0000000, s2;
	s6 =	simm.s32 $0x108;
	_ =	swait.ge @!p0 [sflag:s8], $0x0  }
0x24: {  	s3 =	sadd.s32 $0x88, s3;
	s6 =	simm.s32 @!p1 $0x1082;
	[sflag:s4] =	ssyncset.s32 $0xFFFFF086  }
0x25: {  	[simem:s6], [sflag:s4] =	dma.local [hbm:s3], $0xF7A  }
0x26: {  	[smem:$0x3F9F] =	sst s1;
	(tag) =	ssettag s2;
	_ =	strace s9  }
0x27: {  	s1 =	sld [smem:$0x3FAF]  }
0x28: {  	s2 =	sld [smem:$0x3FB0]  }
0x29: {  	s4 =	sld [smem:$0x3FB2]  }
0x2a: {  	p0 =	seq.s32 s5, $0x0;
	s5 =	sld [smem:$0x3FB3]  }
0x2b: {  	s6 =	sld [smem:$0x3FB4]  }
0x2c: {  	s7 =	sld [smem:$0x3FB5]  }
0x2d: {  	s3 =	simm.s32 $0x108;
	s8 =	sld [smem:$0x3FB6]  }
0x2e: {  	s3 =	simm.s32 @!p0 $0x1082;
	s9 =	sld [smem:$0x3FB7]  }
0x2f: {  	lr =	sadd.s32 s0, s3;
	s0 =	sld [smem:$0x3FAE]  }
0x30: {  	s3 =	sld [smem:$0x3FB1]  }
0x31: {  	[smem:$0x3FBA] =	sst s10  }
0x32: {  	s10 =	sld [smem:$0x3FB8];
	_ =	sdelay $0x3  }
0x33: {  	p0 =	seq.s32 s10, $0x1;
	s10 =	sld [smem:$0x3FBA];
	_ =	sdelay $0x3  }
0x34: {  	[smem:$0x3FBA] =	sst s10  }
0x35: {  	s10 =	sld [smem:$0x3FB9];
	_ =	sdelay $0x3  }
0x36: {  	p1 =	seq.s32 s10, $0x1;
	s10 =	sld [smem:$0x3FBA];
	_ =	sdelay $0x3  }
0x37: {  	[smem:$0x3FBA] =	sst s10  }
0x38: {  	s10 =	sld [smem:$0x3FBB]  }
0x39: {  	_ = 	snop;
	(pc) =	sbr.ind lr, $3  }
0x3a: {  	_ = 	snop  }
0x3b: {  	_ = 	snop  }
0x3c: {  	p2 =	seq.s32 s10, $0x1;
	s10 =	sld [smem:$0x3FBA]  }
0x3d: {  	_ =	shalt  }
0x3e: {  	_ =	shalt  }
0x3f: {  	_ =	shalt  }
0x40: {  	_ =	shalt  }
0x41: {  	_ =	shalt  }
0x42: {  	_ =	shalt  }
0x43: {  	_ =	shalt  }
0x44: {  	_ =	shalt  }
0x45: {  	_ =	shalt  }
0x46: {  	_ =	shalt  }
0x47: {  	_ =	shalt  }
0x48: {  	_ =	shalt  }
0x49: {  	_ =	shalt  }
0x4a: {  	_ =	shalt  }
0x4b: {  	_ =	shalt  }
0x4c: {  	_ =	shalt  }
0x4d: {  	_ =	shalt  }
0x4e: {  	_ =	shalt  }
0x4f: {  	_ =	shalt  }
0x50: {  	_ =	shalt  }
0x51: {  	_ =	shalt  }
0x52: {  	_ =	shalt  }
0x53: {  	_ =	shalt  }
0x54: {  	_ =	shalt  }
0x55: {  	_ =	shalt  }
0x56: {  	_ =	shalt  }
0x57: {  	_ =	shalt  }
0x58: {  	_ =	shalt  }
0x59: {  	_ =	shalt  }
0x5a: {  	_ =	shalt  }
0x5b: {  	_ =	shalt  }
0x5c: {  	_ =	shalt  }
0x5d: {  	_ =	shalt  }
0x5e: {  	_ =	shalt  }
0x5f: {  	_ =	shalt  }
0x60: {  	_ =	shalt  }
0x61: {  	_ =	shalt  }
0x62: {  	_ =	shalt  }
0x63: {  	_ =	shalt  }
0x64: {  	_ =	shalt  }
0x65: {  	_ =	shalt  }
0x66: {  	_ =	shalt  }
0x67: {  	_ =	shalt  }
0x68: {  	_ =	shalt  }
0x69: {  	_ =	shalt  }
0x6a: {  	_ =	shalt  }
0x6b: {  	_ =	shalt  }
0x6c: {  	_ =	shalt  }
0x6d: {  	_ =	shalt  }
0x6e: {  	_ =	shalt  }
0x6f: {  	_ =	shalt  }
0x70: {  	_ =	shalt  }
0x71: {  	_ =	shalt  }
0x72: {  	_ =	shalt  }
0x73: {  	_ =	shalt  }
0x74: {  	_ =	shalt  }
0x75: {  	_ =	shalt  }
0x76: {  	_ =	shalt  }
0x77: {  	_ =	shalt  }
0x78: {  	_ =	shalt  }
0x79: {  	_ =	shalt  }
0x7a: {  	_ =	shalt  }
0x7b: {  	_ =	shalt  }
0x7c: {  	_ =	shalt  }
0x7d: {  	_ =	shalt  }
0x7e: {  	_ =	shalt  }
0x7f: {  	_ =	shalt  }
0x80: {  	_ =	shalt  }
0x81: {  	_ =	shalt  }
0x82: {  	_ =	shalt  }
0x83: {  	_ =	shalt  }
0x84: {  	_ =	shalt  }
0x85: {  	_ =	shalt  }
0x86: {  	_ =	shalt  }
0x87: {  	_ =	shalt  }
.Lfunc_end0:
.L_simem_size_0:
called_computation_lowered:
.L_overlay_start_0:
0x88: {  	s2 =	sld [smem:$0x3FD9]  }
0x89: {  	s3 =	sld [smem:$0x3FFE];
	_ =	sdelay $0x1  }
0x8a: {  	s1 =	srdreg.scid  }
0x8b: {  	s0 =	sand.u32 $0x1, s1  }
0x8c: {  	s17 =	sshll.u32 s0, $0xA;
	s2 =	sadd.s32 s3, s2  }
0x8d: {  	s2 =	sadd.s32 s2, s17  }
0x8e: {  	[smem:$0x3FC6] =	sst s2  }
0x8f: {  	_ = 	snop  }
0x90: {  	s2 =	sld [smem:$0x3FC8]  }
0x91: {  	s18 =	sld [smem:$0x3FD0];
	(tm) =	ssettm $0x1  }
0x92: {  	s4 =	sld [smem:$0x3FFB];
	_ =	sdelay $0x3  }
0x93: {  	_ =	strace s4  }
0x94: {  	s4 =	sld [smem:$0x3FFC];
	_ =	sdelay $0x3  }
0x95: {  	_ =	strace s4  }
0x96: {  	s4 =	sld [smem:$0x3FFD];
	_ =	sdelay $0x3  }
0x97: {  	_ =	strace s4  }
0x98: {  	_ =	strace $0x8FFFFFFF  }
0x99: {  	s19 =	sld [smem:$0x3FDB];
	_ =	sdelay $0x1  }
0x9a: {  	s5 =	simm.s32 $_scs_section_size  }
0x9b: {  	s6 =	simm.s32 $_size__tile_overlayer_lowered;
	s7 =	simm.s32 $_tile_overlayer_lowered  }
0x9c: {  	s22 =	simm.s32 $0x1BFF;
	s21 =	sshll.u32 s7, $0x1;
	s4 =	sadd.s32 s5, s19  }
0x9d: {  	s8 =	simm.s32 $0x0;
	s20 =	sshll.u32 s6, $0x1;
	s6 =	sadd.s32 s21, s4  }
0x9e: {  	[timem:s8], [sflag:s22] =	dma.local [hbm:s6], s20  }
0x9f: {  	_ =	swait.ge [sflag:s22], s20  }
0xa0: {  	s5 =	ssub.s32 $0x0, s20;
	[sflag:s22] =	ssyncset.done $0x0  }
0xa1: {  	[sflag:s22] =	ssyncadd.s32 s5;
	_ =	sdelay $0x1  }
0xa2: {  	s23 =	simm.s32 $0x1B8B  }
0xa3: {  	_ =	swait.ge [sflag:s23], $0x1  }
0xa4: {  	[sflag:s23] =	ssyncset.done $0x0  }
0xa5: {  	s25 =	simm.s32 $0x1B8E;
	s24 =	sld [smem:$0x3FFE];
	[sflag:s23] =	ssyncadd.s32 $0xFFFFFFFF  }
0xa6: {  	s26 =	simm.s32 $execute0_lowered;
	[smem:$0x3FD2] =	sst s25  }
0xa7: {  	s6 =	sshll.u32 s26, $0x1;
	_ =	strace $0x80000046;
	[dreg:$0x1] =	wrdreg $0xFFFFFFFF  }
0xa8: {  	s28 =	simm.s32 $_size_execute0_lowered;
	s4 =	sadd.s32 s4, s6;
	[dreg:$0x0] =	wrdreg $0x0  }
0xa9: {  	s6 =	sshll.u32 s28, $0x1;
	[dreg:$0x2] =	wrdreg s4  }
0xaa: {  	[dreg:$0x3] =	wrdreg s6  }
0xab: {  	[dreg:$0x4] =	wrdreg $0xC0  }
0xac: {  	_ =	task [dreg:s8], $0x5FFFF  }
0xad: {  	[dreg:$0x1] =	wrdreg $0xFFFFFFFF  }
0xae: {  	[dreg:$0x0] =	wrdreg $0x60  }
0xaf: {  	[dreg:$0x2] =	wrdreg s24  }
0xb0: {  	[dreg:$0x3] =	wrdreg s2  }
0xb1: {  	[dreg:$0x4] =	wrdreg s18  }
0xb2: {  	[dreg:$0x5] =	wrdreg $0x9  }
0xb3: {  	_ =	task.clear_ibuf [dreg:s8], $0x6FFFF;
	_ =	strace $0x90000046  }
0xb4: {  	s29 =	simm.s32 $0x9;
	_ =	strace $0x80000048  }
0xb5: {  	_ =	swait.ge [sflag:s29], $0x1  }
0xb6: {  	[sflag:s29] =	ssyncadd.s32 $0xFFFFFFFF  }
0xb7: {  	_ =	strace $0x90000048  }
0xb8: {  	_ =	sfence  }
0xb9: {  	s30 =	sld [smem:$0x0];
	_ =	sdelay $0x2  }
0xba: {  	s31 =	sshll.u32 s1, $0xD;
	s1 =	sshrl.u32 s1, $0x2  }
0xbb: {  	s3 =	sand.u32 $0x4000, s31;
	s1 =	sadd.s32 s1, s30  }
0xbc: {  	s0 =	sor.u32 s3, s0;
	s1 =	sshll.u32 s1, $0x11  }
0xbd: {  	s0 =	sor.u32 s1, s0  }
0xbe: {  	s0 =	sadd.s32 $0x8F2B, s0  }
0xbf: {  	[sflag:s0] =	ssyncadd.remote.s32 $0x1  }
0xc0: {  	_ =	sfence.sel $0xFFFF  }
0xc1: {  	[dreg:$0x0] =	wrdreg $0xFFFFFFFF;
	(pc) =	sbr.abs _section_cstart, $3  }
0xc2: {  	[dreg:$0x1] =	wrdreg $0xFFFFFFFF  }
0xc3: {  	_ =	task.clear_ibuf [dreg:s8], $0x2FFFF;
	_ =	strace $0x9FFFFFFF  }
0xc4: {  	(tm) =	ssettm $0x7FFFFFFF  }
0xc5: {  	_ =	shalt  }
tec
execute0_lowered:
.L_overlay_start_1:
0x0: {  	(tag) =	ssettag $0x1  }
0x1: {  	s0 =	rddreg [dreg:$0x0]  }
0x2: {  	s1 =	srdreg.scid;
	s2 =	rddreg [dreg:$0x1]  }
0x3: {  	s13 =	stileid.u32;
	s4 =	rddreg [dreg:$0x2]  }
0x4: {  	s3 =	simm.s32 $0x0;
	s29 =	simm.s32 $0x5A00;
	s31 =	simm.s32 $0x6200  }
0x5: {  	s28 =	simm.s32 $0x5;
	s30 =	simm.s32 $0x9;
	s15 =	simm.s32 $0xE  }
0x6: {  	s1 =	sand.u32 $0x1, s1;
	s5 =	sshll.u32 s13, $0xA;
	[smem:$0x7FF] =	sst s3  }
0x7: {  	s7 =	sadd.s32 $0x300, s2;
	s9 =	sadd.s32 $0x500, s2;
	s11 =	sadd.s32 $0x600, s2  }
0x8: {  	s12 =	sadd.s32 $0x700, s2;
	s21 =	sshll.u32 s13, $0x12;
	s6 =	sshll.u32 s1, $0x9  }
0x9: {  	s16 =	ssub.s32 $0x2, s1;
	_ =	strace $0x80000047;
	s8 =	sor.u32 s6, s5  }
0xa: {  	s1 =	sshll.u32 s1, $0x11;
	s17 =	sshrl.u32 s16, $0x1;
	s18 =	sshll.u32 s8, $0x8  }
0xb: {  	s5 =	sshrl.u32 s8, $0x3;
	s10 =	ssub.s32 s16, s17;
	s14 =	sadd.s32 s4, s18  }
0xc: {  	s0 =	sadd.s32 s5, s0;
	s26 =	smax.u32 s10, $0x1;
	[dreg:$0x6] =	wrdreg s14  }
0xd: {  	s6 =	sadd.s32 $0x200, s2;
	s0 =	sadd.s32 $0x400, s0;
	[dreg:$0xe] =	wrdreg s26  }
0xe: {  	s8 =	sadd.s32 $0x400, s2;
	s19 =	sadd.s32 $0x1000, s14;
	[dreg:$0x5] =	wrdreg s0  }
0xf: {  	s17 =	simm.s32 $0x18200;
	s20 =	sadd.s32 $0x1800, s14;
	[dreg:$0x8] =	wrdreg s19  }
0x10: {  	s5 =	sadd.s32 $0x100, s2;
	s22 =	sadd.s32 $0x1E000, s14;
	[dreg:$0x9] =	wrdreg s20  }
0x11: {  	s10 =	simm.s32 $0x6;
	s23 =	sadd.s32 $0x1E800, s14;
	[dreg:$0xa] =	wrdreg s22  }
0x12: {  	s24 =	sadd.s32 $0x1F000, s14;
	s25 =	sadd.s32 $0x1F800, s14;
	[dreg:$0xb] =	wrdreg s23  }
0x13: {  	s26 =	simm.s32 $0x10200;
	s0 =	sadd.s32 $0x800, s14;
	[dreg:$0xc] =	wrdreg s24  }
0x14: {  	[dreg:$0xd] =	wrdreg s25;
	s19 =	simm.s32 $0x4200;
	s14 =	simm.s32 $0x4A00  }
0x15: {  	s22 =	simm.s32 $0x5200;
	s20 =	simm.s32 $0x14A00;
	s25 =	simm.s32 $0xC  }
0x16: {  	v0 =	vlaneseq.u32;
	s23 =	simm.s32 $0xD;
	[dreg:$0x7] =	wrdreg s0;
	s0 =	sadd.s32 s21, s4  }
0x17: {  	v1 =	vshrl.u32 v0, $0x3;
	s24 =	simm.s32 $0x4;
	s4 =	simm.s32 $0x14200;
	s0 =	sadd.s32 s1, s0  }
0x18: {  	vm0 =	vmmov $0xffff;
	v0 =	vand.u32 $0x7, v0;
	v1 =	vmul.u32 $0x8, v1;
	s21 =	simm.s32 $0x7;
	[dreg:$0x4] =	wrdreg s0;
	s0 =	simm.s32 $0x0  }
.LBB2_1:
0x19: {  	[dreg:$0xf] =	wrdreg s0  }
0x1a: {  	s16 =	rddreg [dreg:$0x5];
	s18 =	simm.s32 $0xF  }
0x1b: {  	[tilespmem:s3], [sflag:$0xF] =	stream.linear.gather [hbm4b:s16+s3], $0x200, $0x38;
	[tilespmem:$0x1C200] =	vst v63  }
0x1c: {  	_ =	swait.ge [sflag:s18], $0x200  }
0x1d: {  	[sflag:s18] =	ssyncset.done $0x0  }
0x1e: {  	[sflag:s18] =	ssyncadd.s32 $0xFFFFFE00  }
0x1f: {  	v2 =	vld.msk [tilespmem:$0x0], $0xff;
	_ =	sdelay $0x4  }
0x20: {  	v3 =	vshll.u32 v2, $0x4  }
0x21: {  	v2 =	vand.u32 $0x7, v2;
	v3 =	vand.u32 $0xFFFFFF80, v3  }
0x22: {  	v2 =	vor.u32 v2, v3  }
0x23: {  	v2 =	vperm.xlane v2, v0;
	_ =	sdelay $0x1  }
0x24: {  	v2 =	vadd.s32 v1, v2;
	_ =	sdelay $0x3  }
0x25: {  	s18 =	simm.s32 $0x200  }
0x26: {  	[tilespmem:s18], [sflag:$0x1] =	stream.indirect_vreg.gather [hbm4b:s2+s3], $0x80, v2, vm0, $0xb8;
	[tilespmem:$0x1C200] =	vst v63  }
0x27: {  	s13 =	simm.s32 $0xA00  }
0x28: {  	[tilespmem:s13], [sflag:$0x1] =	stream.indirect_vreg.gather [hbm4b:s5+s3], $0x80, v2, vm0, $0xb8;
	[tilespmem:$0x1C200] =	vst v63  }
0x29: {  	s0 =	simm.s32 $0x1200  }
0x2a: {  	[tilespmem:s0], [sflag:$0x1] =	stream.indirect_vreg.gather [hbm4b:s6+s3], $0x80, v2, vm0, $0xb8;
	[tilespmem:$0x1C200] =	vst v63  }
0x2b: {  	s1 =	simm.s32 $0x1A00  }
0x2c: {  	[tilespmem:s1], [sflag:$0x1] =	stream.indirect_vreg.gather [hbm4b:s7+s3], $0x80, v2, vm0, $0xb8;
	[tilespmem:$0x1C200] =	vst v63  }
0x2d: {  	s16 =	simm.s32 $0x2200  }
0x2e: {  	[tilespmem:s16], [sflag:$0x1] =	stream.indirect_vreg.gather [hbm4b:s8+s3], $0x80, v2, vm0, $0xb8;
	[tilespmem:$0x1C200] =	vst v63  }
0x2f: {  	s0 =	simm.s32 $0x2A00  }
0x30: {  	[tilespmem:s0], [sflag:$0x1] =	stream.indirect_vreg.gather [hbm4b:s9+s3], $0x80, v2, vm0, $0xb8;
	[tilespmem:$0x1C200] =	vst v63  }
0x31: {  	s1 =	simm.s32 $0x3200  }
0x32: {  	[tilespmem:s1], [sflag:$0x1] =	stream.indirect_vreg.gather [hbm4b:s11+s3], $0x80, v2, vm0, $0xb8;
	[tilespmem:$0x1C200] =	vst v63  }
0x33: {  	s16 =	simm.s32 $0x3A00  }
0x34: {  	[tilespmem:s16], [sflag:$0x1] =	stream.indirect_vreg.gather [hbm4b:s12+s3], $0x80, v2, vm0, $0xb8;
	[tilespmem:$0x1C200] =	vst v63  }
0x35: {  	v2 =	vld.msk [tilespmem:$0x8], $0xff;
	_ =	sdelay $0x4  }
0x36: {  	v3 =	vshll.u32 v2, $0x4  }
0x37: {  	v2 =	vand.u32 $0x7, v2;
	v3 =	vand.u32 $0xFFFFFF80, v3  }
0x38: {  	v2 =	vor.u32 v2, v3  }
0x39: {  	v2 =	vperm.xlane v2, v0;
	_ =	sdelay $0x1  }
0x3a: {  	v2 =	vadd.s32 v1, v2;
	_ =	sdelay $0x4  }
0x3b: {  	[tilespmem:s19], [sflag:$0x2] =	stream.indirect_vreg.gather [hbm4b:s2+s3], $0x80, v2, vm0, $0xb8;
	[tilespmem:$0x1C200] =	vst v63  }
0x3c: {  	_ = 	snop  }
0x3d: {  	[tilespmem:s14], [sflag:$0x2] =	stream.indirect_vreg.gather [hbm4b:s5+s3], $0x80, v2, vm0, $0xb8;
	[tilespmem:$0x1C200] =	vst v63  }
0x3e: {  	_ = 	snop  }
0x3f: {  	[tilespmem:s22], [sflag:$0x2] =	stream.indirect_vreg.gather [hbm4b:s6+s3], $0x80, v2, vm0, $0xb8;
	[tilespmem:$0x1C200] =	vst v63  }
0x40: {  	_ = 	snop  }
0x41: {  	[tilespmem:s29], [sflag:$0x2] =	stream.indirect_vreg.gather [hbm4b:s7+s3], $0x80, v2, vm0, $0xb8;
	[tilespmem:$0x1C200] =	vst v63  }
0x42: {  	_ = 	snop  }
0x43: {  	[tilespmem:s31], [sflag:$0x2] =	stream.indirect_vreg.gather [hbm4b:s8+s3], $0x80, v2, vm0, $0xb8;
	[tilespmem:$0x1C200] =	vst v63  }
0x44: {  	s22 =	simm.s32 $0x6A00  }
0x45: {  	[tilespmem:s22], [sflag:$0x2] =	stream.indirect_vreg.gather [hbm4b:s9+s3], $0x80, v2, vm0, $0xb8;
	[tilespmem:$0x1C200] =	vst v63  }
0x46: {  	s1 =	simm.s32 $0x7200  }
0x47: {  	[tilespmem:s1], [sflag:$0x2] =	stream.indirect_vreg.gather [hbm4b:s11+s3], $0x80, v2, vm0, $0xb8;
	[tilespmem:$0x1C200] =	vst v63  }
0x48: {  	s13 =	simm.s32 $0x7A00  }
0x49: {  	[tilespmem:s13], [sflag:$0x2] =	stream.indirect_vreg.gather [hbm4b:s12+s3], $0x80, v2, vm0, $0xb8;
	[tilespmem:$0x1C200] =	vst v63  }
0x4a: {  	v2 =	vld.msk [tilespmem:$0x10], $0xff;
	_ =	sdelay $0x4  }
0x4b: {  	v3 =	vshll.u32 v2, $0x4  }
0x4c: {  	v2 =	vand.u32 $0x7, v2;
	v3 =	vand.u32 $0xFFFFFF80, v3  }
0x4d: {  	v2 =	vor.u32 v2, v3  }
0x4e: {  	v2 =	vperm.xlane v2, v0;
	_ =	sdelay $0x1  }
0x4f: {  	v2 =	vadd.s32 v1, v2;
	_ =	sdelay $0x3  }
0x50: {  	s13 =	simm.s32 $0x8200  }
0x51: {  	[tilespmem:s13], [sflag:$0x3] =	stream.indirect_vreg.gather [hbm4b:s2+s3], $0x80, v2, vm0, $0xb8;
	[tilespmem:$0x1C200] =	vst v63  }
0x52: {  	s14 =	simm.s32 $0x8A00  }
0x53: {  	[tilespmem:s14], [sflag:$0x3] =	stream.indirect_vreg.gather [hbm4b:s5+s3], $0x80, v2, vm0, $0xb8;
	[tilespmem:$0x1C200] =	vst v63  }
0x54: {  	s16 =	simm.s32 $0x9200  }
0x55: {  	[tilespmem:s16], [sflag:$0x3] =	stream.indirect_vreg.gather [hbm4b:s6+s3], $0x80, v2, vm0, $0xb8;
	[tilespmem:$0x1C200] =	vst v63  }
0x56: {  	s22 =	simm.s32 $0x9A00  }
0x57: {  	[tilespmem:s22], [sflag:$0x3] =	stream.indirect_vreg.gather [hbm4b:s7+s3], $0x80, v2, vm0, $0xb8;
	[tilespmem:$0x1C200] =	vst v63  }
0x58: {  	s1 =	simm.s32 $0xA200  }
0x59: {  	[tilespmem:s1], [sflag:$0x3] =	stream.indirect_vreg.gather [hbm4b:s8+s3], $0x80, v2, vm0, $0xb8;
	[tilespmem:$0x1C200] =	vst v63  }
0x5a: {  	s14 =	simm.s32 $0xAA00  }
0x5b: {  	[tilespmem:s14], [sflag:$0x3] =	stream.indirect_vreg.gather [hbm4b:s9+s3], $0x80, v2, vm0, $0xb8;
	[tilespmem:$0x1C200] =	vst v63  }
0x5c: {  	s16 =	simm.s32 $0xB200  }
0x5d: {  	[tilespmem:s16], [sflag:$0x3] =	stream.indirect_vreg.gather [hbm4b:s11+s3], $0x80, v2, vm0, $0xb8;
	[tilespmem:$0x1C200] =	vst v63  }
0x5e: {  	s22 =	simm.s32 $0xBA00;
	s1 =	simm.s32 $0x1  }
0x5f: {  	[tilespmem:s22], [sflag:$0x3] =	stream.indirect_vreg.gather [hbm4b:s12+s3], $0x80, v2, vm0, $0xb8;
	[tilespmem:$0x1C200] =	vst v63  }
0x60: {  	_ =	swait.ge [sflag:s1], $0x4000  }
0x61: {  	[sflag:s1] =	ssyncset.done $0x0  }
0x62: {  	s14 =	rddreg [dreg:$0x6];
	[sflag:s1] =	ssyncadd.s32 $0xFFFFC000  }
0x63: {  	[hbm4b:s14+s3] =	stream.linear.scatter [tilespmem:s18], [sflag:$0x8], $0x4000, $0x38;
	[tilespmem:$0x1C200] =	vst v63  }
0x64: {  	v2 =	vld.msk [tilespmem:$0x18], $0xff;
	_ =	sdelay $0x4  }
0x65: {  	v3 =	vshll.u32 v2, $0x4  }
0x66: {  	v2 =	vand.u32 $0x7, v2;
	v3 =	vand.u32 $0xFFFFFF80, v3  }
0x67: {  	v2 =	vor.u32 v2, v3  }
0x68: {  	v2 =	vperm.xlane v2, v0;
	_ =	sdelay $0x1  }
0x69: {  	v2 =	vadd.s32 v1, v2;
	_ =	sdelay $0x3  }
0x6a: {  	s1 =	simm.s32 $0xC200  }
0x6b: {  	[tilespmem:s1], [sflag:$0x4] =	stream.indirect_vreg.gather [hbm4b:s2+s3], $0x80, v2, vm0, $0xb8;
	[tilespmem:$0x1C200] =	vst v63  }
0x6c: {  	s22 =	simm.s32 $0xCA00  }
0x6d: {  	[tilespmem:s22], [sflag:$0x4] =	stream.indirect_vreg.gather [hbm4b:s5+s3], $0x80, v2, vm0, $0xb8;
	[tilespmem:$0x1C200] =	vst v63  }
0x6e: {  	s14 =	simm.s32 $0xD200  }
0x6f: {  	[tilespmem:s14], [sflag:$0x4] =	stream.indirect_vreg.gather [hbm4b:s6+s3], $0x80, v2, vm0, $0xb8;
	[tilespmem:$0x1C200] =	vst v63  }
0x70: {  	s16 =	simm.s32 $0xDA00  }
0x71: {  	[tilespmem:s16], [sflag:$0x4] =	stream.indirect_vreg.gather [hbm4b:s7+s3], $0x80, v2, vm0, $0xb8;
	[tilespmem:$0x1C200] =	vst v63  }
0x72: {  	s18 =	simm.s32 $0xE200  }
0x73: {  	[tilespmem:s18], [sflag:$0x4] =	stream.indirect_vreg.gather [hbm4b:s8+s3], $0x80, v2, vm0, $0xb8;
	[tilespmem:$0x1C200] =	vst v63  }
0x74: {  	s22 =	simm.s32 $0xEA00  }
0x75: {  	[tilespmem:s22], [sflag:$0x4] =	stream.indirect_vreg.gather [hbm4b:s9+s3], $0x80, v2, vm0, $0xb8;
	[tilespmem:$0x1C200] =	vst v63  }
0x76: {  	s14 =	simm.s32 $0xF200  }
0x77: {  	[tilespmem:s14], [sflag:$0x4] =	stream.indirect_vreg.gather [hbm4b:s11+s3], $0x80, v2, vm0, $0xb8;
	[tilespmem:$0x1C200] =	vst v63  }
0x78: {  	s0 =	simm.s32 $0x2;
	s16 =	simm.s32 $0xFA00  }
0x79: {  	[tilespmem:s16], [sflag:$0x4] =	stream.indirect_vreg.gather [hbm4b:s12+s3], $0x80, v2, vm0, $0xb8;
	[tilespmem:$0x1C200] =	vst v63  }
0x7a: {  	_ =	swait.ge [sflag:s0], $0x4000  }
0x7b: {  	[sflag:s0] =	ssyncset.done $0x0  }
0x7c: {  	s18 =	rddreg [dreg:$0x7];
	[sflag:s0] =	ssyncadd.s32 $0xFFFFC000  }
0x7d: {  	[hbm4b:s18+s3] =	stream.linear.scatter [tilespmem:s19], [sflag:$0x9], $0x4000, $0x38;
	[tilespmem:$0x1C200] =	vst v63  }
0x7e: {  	v2 =	vld.msk [tilespmem:$0x20], $0xff;
	_ =	sdelay $0x4  }
0x7f: {  	v3 =	vshll.u32 v2, $0x4  }
0x80: {  	v2 =	vand.u32 $0x7, v2;
	v3 =	vand.u32 $0xFFFFFF80, v3  }
0x81: {  	v2 =	vor.u32 v2, v3  }
0x82: {  	v2 =	vperm.xlane v2, v0;
	_ =	sdelay $0x1  }
0x83: {  	v2 =	vadd.s32 v1, v2;
	_ =	sdelay $0x4  }
0x84: {  	[tilespmem:s26], [sflag:$0x5] =	stream.indirect_vreg.gather [hbm4b:s2+s3], $0x80, v2, vm0, $0xb8;
	[tilespmem:$0x1C200] =	vst v63  }
0x85: {  	s19 =	simm.s32 $0x10A00  }
0x86: {  	[tilespmem:s19], [sflag:$0x5] =	stream.indirect_vreg.gather [hbm4b:s5+s3], $0x80, v2, vm0, $0xb8;
	[tilespmem:$0x1C200] =	vst v63  }
0x87: {  	s22 =	simm.s32 $0x11200  }
0x88: {  	[tilespmem:s22], [sflag:$0x5] =	stream.indirect_vreg.gather [hbm4b:s6+s3], $0x80, v2, vm0, $0xb8;
	[tilespmem:$0x1C200] =	vst v63  }
0x89: {  	s26 =	simm.s32 $0x11A00  }
0x8a: {  	[tilespmem:s26], [sflag:$0x5] =	stream.indirect_vreg.gather [hbm4b:s7+s3], $0x80, v2, vm0, $0xb8;
	[tilespmem:$0x1C200] =	vst v63  }
0x8b: {  	s16 =	simm.s32 $0x12200  }
0x8c: {  	[tilespmem:s16], [sflag:$0x5] =	stream.indirect_vreg.gather [hbm4b:s8+s3], $0x80, v2, vm0, $0xb8;
	[tilespmem:$0x1C200] =	vst v63  }
0x8d: {  	s18 =	simm.s32 $0x12A00  }
0x8e: {  	[tilespmem:s18], [sflag:$0x5] =	stream.indirect_vreg.gather [hbm4b:s9+s3], $0x80, v2, vm0, $0xb8;
	[tilespmem:$0x1C200] =	vst v63  }
0x8f: {  	s19 =	simm.s32 $0x13200  }
0x90: {  	[tilespmem:s19], [sflag:$0x5] =	stream.indirect_vreg.gather [hbm4b:s11+s3], $0x80, v2, vm0, $0xb8;
	[tilespmem:$0x1C200] =	vst v63  }
0x91: {  	s14 =	simm.s32 $0x3;
	s22 =	simm.s32 $0x13A00  }
0x92: {  	[tilespmem:s22], [sflag:$0x5] =	stream.indirect_vreg.gather [hbm4b:s12+s3], $0x80, v2, vm0, $0xb8;
	[tilespmem:$0x1C200] =	vst v63  }
0x93: {  	_ =	swait.ge [sflag:s14], $0x4000  }
0x94: {  	[sflag:s14] =	ssyncset.done $0x0  }
0x95: {  	s26 =	rddreg [dreg:$0x8];
	[sflag:s14] =	ssyncadd.s32 $0xFFFFC000  }
0x96: {  	[hbm4b:s26+s3] =	stream.linear.scatter [tilespmem:s13], [sflag:$0xA], $0x4000, $0x38;
	[tilespmem:$0x1C200] =	vst v63  }
0x97: {  	v2 =	vld.msk [tilespmem:$0x28], $0xff;
	_ =	sdelay $0x4  }
0x98: {  	v3 =	vshll.u32 v2, $0x4  }
0x99: {  	v2 =	vand.u32 $0x7, v2;
	v3 =	vand.u32 $0xFFFFFF80, v3  }
0x9a: {  	v2 =	vor.u32 v2, v3  }
0x9b: {  	v2 =	vperm.xlane v2, v0;
	_ =	sdelay $0x1  }
0x9c: {  	v2 =	vadd.s32 v1, v2;
	_ =	sdelay $0x4  }
0x9d: {  	[tilespmem:s4], [sflag:$0x6] =	stream.indirect_vreg.gather [hbm4b:s2+s3], $0x80, v2, vm0, $0xb8;
	[tilespmem:$0x1C200] =	vst v63  }
0x9e: {  	_ = 	snop  }
0x9f: {  	[tilespmem:s20], [sflag:$0x6] =	stream.indirect_vreg.gather [hbm4b:s5+s3], $0x80, v2, vm0, $0xb8;
	[tilespmem:$0x1C200] =	vst v63  }
0xa0: {  	s16 =	simm.s32 $0x15200  }
0xa1: {  	[tilespmem:s16], [sflag:$0x6] =	stream.indirect_vreg.gather [hbm4b:s6+s3], $0x80, v2, vm0, $0xb8;
	[tilespmem:$0x1C200] =	vst v63  }
0xa2: {  	s18 =	simm.s32 $0x15A00  }
0xa3: {  	[tilespmem:s18], [sflag:$0x6] =	stream.indirect_vreg.gather [hbm4b:s7+s3], $0x80, v2, vm0, $0xb8;
	[tilespmem:$0x1C200] =	vst v63  }
0xa4: {  	s19 =	simm.s32 $0x16200  }
0xa5: {  	[tilespmem:s19], [sflag:$0x6] =	stream.indirect_vreg.gather [hbm4b:s8+s3], $0x80, v2, vm0, $0xb8;
	[tilespmem:$0x1C200] =	vst v63  }
0xa6: {  	s20 =	simm.s32 $0x16A00  }
0xa7: {  	[tilespmem:s20], [sflag:$0x6] =	stream.indirect_vreg.gather [hbm4b:s9+s3], $0x80, v2, vm0, $0xb8;
	[tilespmem:$0x1C200] =	vst v63  }
0xa8: {  	s22 =	simm.s32 $0x17200  }
0xa9: {  	[tilespmem:s22], [sflag:$0x6] =	stream.indirect_vreg.gather [hbm4b:s11+s3], $0x80, v2, vm0, $0xb8;
	[tilespmem:$0x1C200] =	vst v63  }
0xaa: {  	s26 =	simm.s32 $0x17A00  }
0xab: {  	[tilespmem:s26], [sflag:$0x6] =	stream.indirect_vreg.gather [hbm4b:s12+s3], $0x80, v2, vm0, $0xb8;
	[tilespmem:$0x1C200] =	vst v63  }
0xac: {  	_ =	swait.ge [sflag:s24], $0x4000  }
0xad: {  	[sflag:s24] =	ssyncset.done $0x0  }
0xae: {  	s13 =	rddreg [dreg:$0x9];
	[sflag:s24] =	ssyncadd.s32 $0xFFFFC000  }
0xaf: {  	[hbm4b:s13+s3] =	stream.linear.scatter [tilespmem:s1], [sflag:$0xB], $0x4000, $0x38;
	[tilespmem:$0x1C200] =	vst v63  }
0xb0: {  	v2 =	vld.msk [tilespmem:$0x30], $0xff;
	_ =	sdelay $0x4  }
0xb1: {  	v3 =	vshll.u32 v2, $0x4  }
0xb2: {  	v2 =	vand.u32 $0x7, v2;
	v3 =	vand.u32 $0xFFFFFF80, v3  }
0xb3: {  	v2 =	vor.u32 v2, v3  }
0xb4: {  	v2 =	vperm.xlane v2, v0;
	_ =	sdelay $0x1  }
0xb5: {  	v2 =	vadd.s32 v1, v2;
	_ =	sdelay $0x4  }
0xb6: {  	[tilespmem:s17], [sflag:$0x7] =	stream.indirect_vreg.gather [hbm4b:s2+s3], $0x80, v2, vm0, $0xb8;
	[tilespmem:$0x1C200] =	vst v63  }
0xb7: {  	s16 =	simm.s32 $0x18A00  }
0xb8: {  	[tilespmem:s16], [sflag:$0x7] =	stream.indirect_vreg.gather [hbm4b:s5+s3], $0x80, v2, vm0, $0xb8;
	[tilespmem:$0x1C200] =	vst v63  }
0xb9: {  	s17 =	simm.s32 $0x19200  }
0xba: {  	[tilespmem:s17], [sflag:$0x7] =	stream.indirect_vreg.gather [hbm4b:s6+s3], $0x80, v2, vm0, $0xb8;
	[tilespmem:$0x1C200] =	vst v63  }
0xbb: {  	s18 =	simm.s32 $0x19A00  }
0xbc: {  	[tilespmem:s18], [sflag:$0x7] =	stream.indirect_vreg.gather [hbm4b:s7+s3], $0x80, v2, vm0, $0xb8;
	[tilespmem:$0x1C200] =	vst v63  }
0xbd: {  	s19 =	simm.s32 $0x1A200  }
0xbe: {  	[tilespmem:s19], [sflag:$0x7] =	stream.indirect_vreg.gather [hbm4b:s8+s3], $0x80, v2, vm0, $0xb8;
	[tilespmem:$0x1C200] =	vst v63  }
0xbf: {  	s20 =	simm.s32 $0x1AA00  }
0xc0: {  	[tilespmem:s20], [sflag:$0x7] =	stream.indirect_vreg.gather [hbm4b:s9+s3], $0x80, v2, vm0, $0xb8;
	[tilespmem:$0x1C200] =	vst v63  }
0xc1: {  	s29 =	simm.s32 $0xB;
	s31 =	simm.s32 $0x0;
	s22 =	simm.s32 $0x1B200  }
0xc2: {  	[tilespmem:s22], [sflag:$0x7] =	stream.indirect_vreg.gather [hbm4b:s11+s3], $0x80, v2, vm0, $0xb8;
	[tilespmem:$0x1C200] =	vst v63  }
0xc3: {  	s26 =	simm.s32 $0x1BA00;
	s16 =	simm.s32 $0x68;
	s19 =	simm.s32 $0x4200  }
0xc4: {  	[tilespmem:s26], [sflag:$0x7] =	stream.indirect_vreg.gather [hbm4b:s12+s3], $0x80, v2, vm0, $0xb8;
	[tilespmem:$0x1C200] =	vst v63  }
.LBB2_2:
0xc5: {  	_ =	swait.ge [sflag:s28], $0x4000  }
0xc6: {  	s22 =	rddreg [dreg:$0x4]  }
0xc7: {  	s4 =	simm.s32 $0x10200;
	[sflag:s28] =	ssyncset.done $0x0;
	s22 =	sadd.s32 s31, s22  }
0xc8: {  	s13 =	simm.s32 $0x8;
	[sflag:s28] =	ssyncadd.s32 $0xFFFFC000;
	s17 =	sadd.s32 $0x2000, s22  }
0xc9: {  	[hbm4b:s17+s3] =	stream.linear.scatter [tilespmem:s4], [sflag:$0xC], $0x4000, $0x38;
	[tilespmem:$0x1C200] =	vst v63  }
0xca: {  	_ =	swait.ge [sflag:s13], $0x4000  }
0xcb: {  	[sflag:s13] =	ssyncset.done $0x0  }
0xcc: {  	[sflag:s13] =	ssyncadd.s32 $0xFFFFC000  }
0xcd: {  	v2 =	vld.msk [tilespmem:s16+$0xFFFFFFD0], $0xff;
	_ =	sdelay $0x4  }
0xce: {  	v3 =	vshll.u32 v2, $0x4  }
0xcf: {  	v2 =	vand.u32 $0x7, v2;
	v3 =	vand.u32 $0xFFFFFF80, v3  }
0xd0: {  	v2 =	vor.u32 v2, v3  }
0xd1: {  	v2 =	vperm.xlane v2, v0;
	_ =	sdelay $0x1  }
0xd2: {  	v2 =	vadd.s32 v1, v2;
	_ =	sdelay $0x3  }
0xd3: {  	s13 =	simm.s32 $0x200  }
0xd4: {  	[tilespmem:s13], [sflag:$0x1] =	stream.indirect_vreg.gather [hbm4b:s2+s3], $0x80, v2, vm0, $0xb8;
	[tilespmem:$0x1C200] =	vst v63  }
0xd5: {  	s18 =	simm.s32 $0xA00  }
0xd6: {  	[tilespmem:s18], [sflag:$0x1] =	stream.indirect_vreg.gather [hbm4b:s5+s3], $0x80, v2, vm0, $0xb8;
	[tilespmem:$0x1C200] =	vst v63  }
0xd7: {  	s20 =	simm.s32 $0x1200  }
0xd8: {  	[tilespmem:s20], [sflag:$0x1] =	stream.indirect_vreg.gather [hbm4b:s6+s3], $0x80, v2, vm0, $0xb8;
	[tilespmem:$0x1C200] =	vst v63  }
0xd9: {  	s26 =	simm.s32 $0x1A00  }
0xda: {  	[tilespmem:s26], [sflag:$0x1] =	stream.indirect_vreg.gather [hbm4b:s7+s3], $0x80, v2, vm0, $0xb8;
	[tilespmem:$0x1C200] =	vst v63  }
0xdb: {  	s1 =	simm.s32 $0x2200  }
0xdc: {  	[tilespmem:s1], [sflag:$0x1] =	stream.indirect_vreg.gather [hbm4b:s8+s3], $0x80, v2, vm0, $0xb8;
	[tilespmem:$0x1C200] =	vst v63  }
0xdd: {  	s18 =	simm.s32 $0x2A00  }
0xde: {  	[tilespmem:s18], [sflag:$0x1] =	stream.indirect_vreg.gather [hbm4b:s9+s3], $0x80, v2, vm0, $0xb8;
	[tilespmem:$0x1C200] =	vst v63  }
0xdf: {  	s20 =	simm.s32 $0x3200  }
0xe0: {  	[tilespmem:s20], [sflag:$0x1] =	stream.indirect_vreg.gather [hbm4b:s11+s3], $0x80, v2, vm0, $0xb8;
	[tilespmem:$0x1C200] =	vst v63  }
0xe1: {  	s26 =	simm.s32 $0x3A00  }
0xe2: {  	[tilespmem:s26], [sflag:$0x1] =	stream.indirect_vreg.gather [hbm4b:s12+s3], $0x80, v2, vm0, $0xb8;
	[tilespmem:$0x1C200] =	vst v63  }
0xe3: {  	_ =	swait.ge [sflag:s10], $0x4000  }
0xe4: {  	[sflag:s10] =	ssyncset.done $0x0  }
0xe5: {  	s1 =	sadd.s32 $0x2800, s22;
	s20 =	simm.s32 $0x14200;
	[sflag:s10] =	ssyncadd.s32 $0xFFFFC000  }
0xe6: {  	[hbm4b:s1+s3] =	stream.linear.scatter [tilespmem:s20], [sflag:$0xD], $0x4000, $0x38;
	[tilespmem:$0x1C200] =	vst v63  }
0xe7: {  	_ =	swait.ge [sflag:s30], $0x4000  }
0xe8: {  	[sflag:s30] =	ssyncset.done $0x0  }
0xe9: {  	[sflag:s30] =	ssyncadd.s32 $0xFFFFC000  }
0xea: {  	v2 =	vld.msk [tilespmem:s16+$0xFFFFFFD8], $0xff;
	_ =	sdelay $0x4  }
0xeb: {  	v3 =	vshll.u32 v2, $0x4  }
0xec: {  	v2 =	vand.u32 $0x7, v2;
	v3 =	vand.u32 $0xFFFFFF80, v3  }
0xed: {  	v2 =	vor.u32 v2, v3  }
0xee: {  	v2 =	vperm.xlane v2, v0;
	_ =	sdelay $0x1  }
0xef: {  	v2 =	vadd.s32 v1, v2;
	_ =	sdelay $0x4  }
0xf0: {  	[tilespmem:s19], [sflag:$0x2] =	stream.indirect_vreg.gather [hbm4b:s2+s3], $0x80, v2, vm0, $0xb8;
	[tilespmem:$0x1C200] =	vst v63  }
0xf1: {  	s1 =	simm.s32 $0x4A00  }
0xf2: {  	[tilespmem:s1], [sflag:$0x2] =	stream.indirect_vreg.gather [hbm4b:s5+s3], $0x80, v2, vm0, $0xb8;
	[tilespmem:$0x1C200] =	vst v63  }
0xf3: {  	s17 =	simm.s32 $0x5200  }
0xf4: {  	[tilespmem:s17], [sflag:$0x2] =	stream.indirect_vreg.gather [hbm4b:s6+s3], $0x80, v2, vm0, $0xb8;
	[tilespmem:$0x1C200] =	vst v63  }
0xf5: {  	s18 =	simm.s32 $0x5A00  }
0xf6: {  	[tilespmem:s18], [sflag:$0x2] =	stream.indirect_vreg.gather [hbm4b:s7+s3], $0x80, v2, vm0, $0xb8;
	[tilespmem:$0x1C200] =	vst v63  }
0xf7: {  	s26 =	simm.s32 $0x6200  }
0xf8: {  	[tilespmem:s26], [sflag:$0x2] =	stream.indirect_vreg.gather [hbm4b:s8+s3], $0x80, v2, vm0, $0xb8;
	[tilespmem:$0x1C200] =	vst v63  }
0xf9: {  	s1 =	simm.s32 $0x6A00  }
0xfa: {  	[tilespmem:s1], [sflag:$0x2] =	stream.indirect_vreg.gather [hbm4b:s9+s3], $0x80, v2, vm0, $0xb8;
	[tilespmem:$0x1C200] =	vst v63  }
0xfb: {  	s18 =	simm.s32 $0x7200  }
0xfc: {  	[tilespmem:s18], [sflag:$0x2] =	stream.indirect_vreg.gather [hbm4b:s11+s3], $0x80, v2, vm0, $0xb8;
	[tilespmem:$0x1C200] =	vst v63  }
0xfd: {  	s26 =	simm.s32 $0x7A00  }
0xfe: {  	[tilespmem:s26], [sflag:$0x2] =	stream.indirect_vreg.gather [hbm4b:s12+s3], $0x80, v2, vm0, $0xb8;
	[tilespmem:$0x1C200] =	vst v63  }
0xff: {  	_ =	swait.ge [sflag:s21], $0x4000  }
0x100: {  	s17 =	simm.s32 $0xA;
	[sflag:s21] =	ssyncset.done $0x0  }
0x101: {  	s1 =	sadd.s32 $0x3000, s22;
	s18 =	simm.s32 $0x18200;
	[sflag:s21] =	ssyncadd.s32 $0xFFFFC000  }
0x102: {  	[hbm4b:s1+s3] =	stream.linear.scatter [tilespmem:s18], [sflag:$0xE], $0x4000, $0x38;
	[tilespmem:$0x1C200] =	vst v63  }
0x103: {  	_ =	swait.ge [sflag:s17], $0x4000  }
0x104: {  	[sflag:s17] =	ssyncset.done $0x0  }
0x105: {  	[sflag:s17] =	ssyncadd.s32 $0xFFFFC000  }
0x106: {  	v2 =	vld.msk [tilespmem:s16+$0xFFFFFFE0], $0xff;
	_ =	sdelay $0x4  }
0x107: {  	v3 =	vshll.u32 v2, $0x4  }
0x108: {  	v2 =	vand.u32 $0x7, v2;
	v3 =	vand.u32 $0xFFFFFF80, v3  }
0x109: {  	v2 =	vor.u32 v2, v3  }
0x10a: {  	v2 =	vperm.xlane v2, v0;
	_ =	sdelay $0x1  }
0x10b: {  	v2 =	vadd.s32 v1, v2;
	_ =	sdelay $0x3  }
0x10c: {  	s1 =	simm.s32 $0x8200  }
0x10d: {  	[tilespmem:s1], [sflag:$0x3] =	stream.indirect_vreg.gather [hbm4b:s2+s3], $0x80, v2, vm0, $0xb8;
	[tilespmem:$0x1C200] =	vst v63  }
0x10e: {  	s26 =	simm.s32 $0x8A00  }
0x10f: {  	[tilespmem:s26], [sflag:$0x3] =	stream.indirect_vreg.gather [hbm4b:s5+s3], $0x80, v2, vm0, $0xb8;
	[tilespmem:$0x1C200] =	vst v63  }
0x110: {  	s26 =	simm.s32 $0x9200  }
0x111: {  	[tilespmem:s26], [sflag:$0x3] =	stream.indirect_vreg.gather [hbm4b:s6+s3], $0x80, v2, vm0, $0xb8;
	[tilespmem:$0x1C200] =	vst v63  }
0x112: {  	s26 =	simm.s32 $0x9A00  }
0x113: {  	[tilespmem:s26], [sflag:$0x3] =	stream.indirect_vreg.gather [hbm4b:s7+s3], $0x80, v2, vm0, $0xb8;
	[tilespmem:$0x1C200] =	vst v63  }
0x114: {  	s26 =	simm.s32 $0xA200  }
0x115: {  	[tilespmem:s26], [sflag:$0x3] =	stream.indirect_vreg.gather [hbm4b:s8+s3], $0x80, v2, vm0, $0xb8;
	[tilespmem:$0x1C200] =	vst v63  }
0x116: {  	s26 =	simm.s32 $0xAA00  }
0x117: {  	[tilespmem:s26], [sflag:$0x3] =	stream.indirect_vreg.gather [hbm4b:s9+s3], $0x80, v2, vm0, $0xb8;
	[tilespmem:$0x1C200] =	vst v63  }
0x118: {  	s26 =	simm.s32 $0xB200  }
0x119: {  	[tilespmem:s26], [sflag:$0x3] =	stream.indirect_vreg.gather [hbm4b:s11+s3], $0x80, v2, vm0, $0xb8;
	[tilespmem:$0x1C200] =	vst v63  }
0x11a: {  	s26 =	simm.s32 $0xBA00  }
0x11b: {  	[tilespmem:s26], [sflag:$0x3] =	stream.indirect_vreg.gather [hbm4b:s12+s3], $0x80, v2, vm0, $0xb8;
	[tilespmem:$0x1C200] =	vst v63  }
0x11c: {  	s26 =	simm.s32 $0x1  }
0x11d: {  	_ =	swait.ge [sflag:s26], $0x4000  }
0x11e: {  	[sflag:s26] =	ssyncset.done $0x0  }
0x11f: {  	[sflag:s26] =	ssyncadd.s32 $0xFFFFC000;
	s26 =	sadd.s32 $0x3800, s22  }
0x120: {  	[hbm4b:s26+s3] =	stream.linear.scatter [tilespmem:s13], [sflag:$0x8], $0x4000, $0x38;
	[tilespmem:$0x1C200] =	vst v63  }
0x121: {  	_ =	swait.ge [sflag:s29], $0x4000  }
0x122: {  	[sflag:s29] =	ssyncset.done $0x0  }
0x123: {  	[sflag:s29] =	ssyncadd.s32 $0xFFFFC000  }
0x124: {  	v2 =	vld.msk [tilespmem:s16+$0xFFFFFFE8], $0xff;
	_ =	sdelay $0x4  }
0x125: {  	v3 =	vshll.u32 v2, $0x4  }
0x126: {  	v2 =	vand.u32 $0x7, v2;
	v3 =	vand.u32 $0xFFFFFF80, v3  }
0x127: {  	v2 =	vor.u32 v2, v3  }
0x128: {  	v2 =	vperm.xlane v2, v0;
	_ =	sdelay $0x1  }
0x129: {  	v2 =	vadd.s32 v1, v2;
	_ =	sdelay $0x3  }
0x12a: {  	s13 =	simm.s32 $0xC200  }
0x12b: {  	[tilespmem:s13], [sflag:$0x4] =	stream.indirect_vreg.gather [hbm4b:s2+s3], $0x80, v2, vm0, $0xb8;
	[tilespmem:$0x1C200] =	vst v63  }
0x12c: {  	s26 =	simm.s32 $0xCA00  }
0x12d: {  	[tilespmem:s26], [sflag:$0x4] =	stream.indirect_vreg.gather [hbm4b:s5+s3], $0x80, v2, vm0, $0xb8;
	[tilespmem:$0x1C200] =	vst v63  }
0x12e: {  	s26 =	simm.s32 $0xD200  }
0x12f: {  	[tilespmem:s26], [sflag:$0x4] =	stream.indirect_vreg.gather [hbm4b:s6+s3], $0x80, v2, vm0, $0xb8;
	[tilespmem:$0x1C200] =	vst v63  }
0x130: {  	s26 =	simm.s32 $0xDA00  }
0x131: {  	[tilespmem:s26], [sflag:$0x4] =	stream.indirect_vreg.gather [hbm4b:s7+s3], $0x80, v2, vm0, $0xb8;
	[tilespmem:$0x1C200] =	vst v63  }
0x132: {  	s26 =	simm.s32 $0xE200  }
0x133: {  	[tilespmem:s26], [sflag:$0x4] =	stream.indirect_vreg.gather [hbm4b:s8+s3], $0x80, v2, vm0, $0xb8;
	[tilespmem:$0x1C200] =	vst v63  }
0x134: {  	s26 =	simm.s32 $0xEA00  }
0x135: {  	[tilespmem:s26], [sflag:$0x4] =	stream.indirect_vreg.gather [hbm4b:s9+s3], $0x80, v2, vm0, $0xb8;
	[tilespmem:$0x1C200] =	vst v63  }
0x136: {  	s26 =	simm.s32 $0xF200  }
0x137: {  	[tilespmem:s26], [sflag:$0x4] =	stream.indirect_vreg.gather [hbm4b:s11+s3], $0x80, v2, vm0, $0xb8;
	[tilespmem:$0x1C200] =	vst v63  }
0x138: {  	s26 =	simm.s32 $0xFA00  }
0x139: {  	[tilespmem:s26], [sflag:$0x4] =	stream.indirect_vreg.gather [hbm4b:s12+s3], $0x80, v2, vm0, $0xb8;
	[tilespmem:$0x1C200] =	vst v63  }
0x13a: {  	_ =	swait.ge [sflag:s0], $0x4000  }
0x13b: {  	[sflag:s0] =	ssyncset.done $0x0  }
0x13c: {  	s26 =	sadd.s32 $0x4000, s22;
	[sflag:s0] =	ssyncadd.s32 $0xFFFFC000  }
0x13d: {  	[hbm4b:s26+s3] =	stream.linear.scatter [tilespmem:s19], [sflag:$0x9], $0x4000, $0x38;
	[tilespmem:$0x1C200] =	vst v63  }
0x13e: {  	_ =	swait.ge [sflag:s25], $0x4000  }
0x13f: {  	[sflag:s25] =	ssyncset.done $0x0  }
0x140: {  	[sflag:s25] =	ssyncadd.s32 $0xFFFFC000  }
0x141: {  	v2 =	vld.msk [tilespmem:s16+$0xFFFFFFF0], $0xff;
	_ =	sdelay $0x4  }
0x142: {  	v3 =	vshll.u32 v2, $0x4  }
0x143: {  	v2 =	vand.u32 $0x7, v2;
	v3 =	vand.u32 $0xFFFFFF80, v3  }
0x144: {  	v2 =	vor.u32 v2, v3  }
0x145: {  	v2 =	vperm.xlane v2, v0;
	_ =	sdelay $0x1  }
0x146: {  	v2 =	vadd.s32 v1, v2;
	_ =	sdelay $0x4  }
0x147: {  	[tilespmem:s4], [sflag:$0x5] =	stream.indirect_vreg.gather [hbm4b:s2+s3], $0x80, v2, vm0, $0xb8;
	[tilespmem:$0x1C200] =	vst v63  }
0x148: {  	s17 =	simm.s32 $0x10A00  }
0x149: {  	[tilespmem:s17], [sflag:$0x5] =	stream.indirect_vreg.gather [hbm4b:s5+s3], $0x80, v2, vm0, $0xb8;
	[tilespmem:$0x1C200] =	vst v63  }
0x14a: {  	s17 =	simm.s32 $0x11200  }
0x14b: {  	[tilespmem:s17], [sflag:$0x5] =	stream.indirect_vreg.gather [hbm4b:s6+s3], $0x80, v2, vm0, $0xb8;
	[tilespmem:$0x1C200] =	vst v63  }
0x14c: {  	s17 =	simm.s32 $0x11A00  }
0x14d: {  	[tilespmem:s17], [sflag:$0x5] =	stream.indirect_vreg.gather [hbm4b:s7+s3], $0x80, v2, vm0, $0xb8;
	[tilespmem:$0x1C200] =	vst v63  }
0x14e: {  	s17 =	simm.s32 $0x12200  }
0x14f: {  	[tilespmem:s17], [sflag:$0x5] =	stream.indirect_vreg.gather [hbm4b:s8+s3], $0x80, v2, vm0, $0xb8;
	[tilespmem:$0x1C200] =	vst v63  }
0x150: {  	s17 =	simm.s32 $0x12A00  }
0x151: {  	[tilespmem:s17], [sflag:$0x5] =	stream.indirect_vreg.gather [hbm4b:s9+s3], $0x80, v2, vm0, $0xb8;
	[tilespmem:$0x1C200] =	vst v63  }
0x152: {  	s17 =	simm.s32 $0x13200  }
0x153: {  	[tilespmem:s17], [sflag:$0x5] =	stream.indirect_vreg.gather [hbm4b:s11+s3], $0x80, v2, vm0, $0xb8;
	[tilespmem:$0x1C200] =	vst v63  }
0x154: {  	s17 =	simm.s32 $0x13A00  }
0x155: {  	[tilespmem:s17], [sflag:$0x5] =	stream.indirect_vreg.gather [hbm4b:s12+s3], $0x80, v2, vm0, $0xb8;
	[tilespmem:$0x1C200] =	vst v63  }
0x156: {  	_ =	swait.ge [sflag:s14], $0x4000  }
0x157: {  	[sflag:s14] =	ssyncset.done $0x0  }
0x158: {  	s4 =	sadd.s32 $0x4800, s22;
	[sflag:s14] =	ssyncadd.s32 $0xFFFFC000  }
0x159: {  	[hbm4b:s4+s3] =	stream.linear.scatter [tilespmem:s1], [sflag:$0xA], $0x4000, $0x38;
	[tilespmem:$0x1C200] =	vst v63  }
0x15a: {  	_ =	swait.ge [sflag:s23], $0x4000  }
0x15b: {  	[sflag:s23] =	ssyncset.done $0x0  }
0x15c: {  	[sflag:s23] =	ssyncadd.s32 $0xFFFFC000  }
0x15d: {  	v2 =	vld.msk [tilespmem:s16+$0xFFFFFFF8], $0xff;
	_ =	sdelay $0x4  }
0x15e: {  	v3 =	vshll.u32 v2, $0x4  }
0x15f: {  	v2 =	vand.u32 $0x7, v2;
	v3 =	vand.u32 $0xFFFFFF80, v3  }
0x160: {  	v2 =	vor.u32 v2, v3  }
0x161: {  	v2 =	vperm.xlane v2, v0;
	_ =	sdelay $0x1  }
0x162: {  	v2 =	vadd.s32 v1, v2;
	_ =	sdelay $0x4  }
0x163: {  	[tilespmem:s20], [sflag:$0x6] =	stream.indirect_vreg.gather [hbm4b:s2+s3], $0x80, v2, vm0, $0xb8;
	[tilespmem:$0x1C200] =	vst v63  }
0x164: {  	s20 =	simm.s32 $0x14A00  }
0x165: {  	[tilespmem:s20], [sflag:$0x6] =	stream.indirect_vreg.gather [hbm4b:s5+s3], $0x80, v2, vm0, $0xb8;
	[tilespmem:$0x1C200] =	vst v63  }
0x166: {  	s17 =	simm.s32 $0x15200  }
0x167: {  	[tilespmem:s17], [sflag:$0x6] =	stream.indirect_vreg.gather [hbm4b:s6+s3], $0x80, v2, vm0, $0xb8;
	[tilespmem:$0x1C200] =	vst v63  }
0x168: {  	s17 =	simm.s32 $0x15A00  }
0x169: {  	[tilespmem:s17], [sflag:$0x6] =	stream.indirect_vreg.gather [hbm4b:s7+s3], $0x80, v2, vm0, $0xb8;
	[tilespmem:$0x1C200] =	vst v63  }
0x16a: {  	s17 =	simm.s32 $0x16200  }
0x16b: {  	[tilespmem:s17], [sflag:$0x6] =	stream.indirect_vreg.gather [hbm4b:s8+s3], $0x80, v2, vm0, $0xb8;
	[tilespmem:$0x1C200] =	vst v63  }
0x16c: {  	s17 =	simm.s32 $0x16A00  }
0x16d: {  	[tilespmem:s17], [sflag:$0x6] =	stream.indirect_vreg.gather [hbm4b:s9+s3], $0x80, v2, vm0, $0xb8;
	[tilespmem:$0x1C200] =	vst v63  }
0x16e: {  	s17 =	simm.s32 $0x17200  }
0x16f: {  	[tilespmem:s17], [sflag:$0x6] =	stream.indirect_vreg.gather [hbm4b:s11+s3], $0x80, v2, vm0, $0xb8;
	[tilespmem:$0x1C200] =	vst v63  }
0x170: {  	s17 =	simm.s32 $0x17A00  }
0x171: {  	[tilespmem:s17], [sflag:$0x6] =	stream.indirect_vreg.gather [hbm4b:s12+s3], $0x80, v2, vm0, $0xb8;
	[tilespmem:$0x1C200] =	vst v63  }
0x172: {  	_ =	swait.ge [sflag:s24], $0x4000  }
0x173: {  	[sflag:s24] =	ssyncset.done $0x0  }
0x174: {  	s1 =	sadd.s32 $0x5000, s22;
	[sflag:s24] =	ssyncadd.s32 $0xFFFFC000  }
0x175: {  	[hbm4b:s1+s3] =	stream.linear.scatter [tilespmem:s13], [sflag:$0xB], $0x4000, $0x38;
	[tilespmem:$0x1C200] =	vst v63  }
0x176: {  	_ =	swait.ge [sflag:s15], $0x4000  }
0x177: {  	[sflag:s15] =	ssyncset.done $0x0  }
0x178: {  	[sflag:s15] =	ssyncadd.s32 $0xFFFFC000  }
0x179: {  	v2 =	vld.msk [tilespmem:s16+$0x0], $0xff;
	_ =	sdelay $0x4  }
0x17a: {  	v3 =	vshll.u32 v2, $0x4  }
0x17b: {  	v2 =	vand.u32 $0x7, v2;
	v3 =	vand.u32 $0xFFFFFF80, v3  }
0x17c: {  	v2 =	vor.u32 v2, v3  }
0x17d: {  	v2 =	vperm.xlane v2, v0;
	_ =	sdelay $0x1  }
0x17e: {  	v2 =	vadd.s32 v1, v2;
	_ =	sdelay $0x4  }
0x17f: {  	[tilespmem:s18], [sflag:$0x7] =	stream.indirect_vreg.gather [hbm4b:s2+s3], $0x80, v2, vm0, $0xb8;
	[tilespmem:$0x1C200] =	vst v63  }
0x180: {  	s22 =	simm.s32 $0x18A00  }
0x181: {  	[tilespmem:s22], [sflag:$0x7] =	stream.indirect_vreg.gather [hbm4b:s5+s3], $0x80, v2, vm0, $0xb8;
	[tilespmem:$0x1C200] =	vst v63  }
0x182: {  	s13 =	simm.s32 $0x19200  }
0x183: {  	[tilespmem:s13], [sflag:$0x7] =	stream.indirect_vreg.gather [hbm4b:s6+s3], $0x80, v2, vm0, $0xb8;
	[tilespmem:$0x1C200] =	vst v63  }
0x184: {  	s18 =	simm.s32 $0x19A00  }
0x185: {  	[tilespmem:s18], [sflag:$0x7] =	stream.indirect_vreg.gather [hbm4b:s7+s3], $0x80, v2, vm0, $0xb8;
	[tilespmem:$0x1C200] =	vst v63  }
0x186: {  	s22 =	simm.s32 $0x1A200  }
0x187: {  	[tilespmem:s22], [sflag:$0x7] =	stream.indirect_vreg.gather [hbm4b:s8+s3], $0x80, v2, vm0, $0xb8;
	[tilespmem:$0x1C200] =	vst v63  }
0x188: {  	p0 =	sne.s32 s31, $0x18800;
	s13 =	simm.s32 $0x1AA00  }
0x189: {  	[tilespmem:s13], [sflag:$0x7] =	stream.indirect_vreg.gather [hbm4b:s9+s3], $0x80, v2, vm0, $0xb8;
	[tilespmem:$0x1C200] =	vst v63  }
.Ltmp0:
0x18a: {  	s31 =	sadd.s32 $0x3800, s31;
	(pc) =	sbr.rel @p0 .LBB2_2-.Ltmp0, $4  }
0x18b: {  	s26 =	simm.s32 $0x10200;
	s4 =	simm.s32 $0x14200;
	s18 =	simm.s32 $0x1B200  }
0x18c: {  	[tilespmem:s18], [sflag:$0x7] =	stream.indirect_vreg.gather [hbm4b:s11+s3], $0x80, v2, vm0, $0xb8;
	[tilespmem:$0x1C200] =	vst v63  }
0x18d: {  	s17 =	simm.s32 $0x18200;
	s16 =	sadd.s32 $0x38, s16;
	s22 =	simm.s32 $0x1BA00  }
0x18e: {  	[tilespmem:s22], [sflag:$0x7] =	stream.indirect_vreg.gather [hbm4b:s12+s3], $0x80, v2, vm0, $0xb8;
	[tilespmem:$0x1C200] =	vst v63  }
0x18f: {  	_ =	swait.ge [sflag:s28], $0x4000  }
0x190: {  	[sflag:s28] =	ssyncset.done $0x0  }
0x191: {  	s14 =	simm.s32 $0x8;
	s16 =	rddreg [dreg:$0xa];
	[sflag:s28] =	ssyncadd.s32 $0xFFFFC000  }
0x192: {  	[hbm4b:s16+s3] =	stream.linear.scatter [tilespmem:s26], [sflag:$0xC], $0x4000, $0x38;
	[tilespmem:$0x1C200] =	vst v63  }
0x193: {  	_ =	swait.ge [sflag:s14], $0x4000  }
0x194: {  	[sflag:s14] =	ssyncset.done $0x0  }
0x195: {  	[sflag:s14] =	ssyncadd.s32 $0xFFFFC000  }
0x196: {  	v2 =	vld.msk [tilespmem:$0x1F8], $0xff;
	_ =	sdelay $0x4  }
0x197: {  	v3 =	vshll.u32 v2, $0x4  }
0x198: {  	v2 =	vand.u32 $0x7, v2;
	v3 =	vand.u32 $0xFFFFFF80, v3  }
0x199: {  	v2 =	vor.u32 v2, v3  }
0x19a: {  	v2 =	vperm.xlane v2, v0;
	_ =	sdelay $0x1  }
0x19b: {  	v2 =	vadd.s32 v1, v2;
	_ =	sdelay $0x3  }
0x19c: {  	s13 =	simm.s32 $0x200  }
0x19d: {  	[tilespmem:s13], [sflag:$0x1] =	stream.indirect_vreg.gather [hbm4b:s2+s3], $0x80, v2, vm0, $0xb8;
	[tilespmem:$0x1C200] =	vst v63  }
0x19e: {  	s19 =	simm.s32 $0xA00  }
0x19f: {  	[tilespmem:s19], [sflag:$0x1] =	stream.indirect_vreg.gather [hbm4b:s5+s3], $0x80, v2, vm0, $0xb8;
	[tilespmem:$0x1C200] =	vst v63  }
0x1a0: {  	s22 =	simm.s32 $0x1200  }
0x1a1: {  	[tilespmem:s22], [sflag:$0x1] =	stream.indirect_vreg.gather [hbm4b:s6+s3], $0x80, v2, vm0, $0xb8;
	[tilespmem:$0x1C200] =	vst v63  }
0x1a2: {  	s0 =	simm.s32 $0x1A00  }
0x1a3: {  	[tilespmem:s0], [sflag:$0x1] =	stream.indirect_vreg.gather [hbm4b:s7+s3], $0x80, v2, vm0, $0xb8;
	[tilespmem:$0x1C200] =	vst v63  }
0x1a4: {  	s1 =	simm.s32 $0x2200  }
0x1a5: {  	[tilespmem:s1], [sflag:$0x1] =	stream.indirect_vreg.gather [hbm4b:s8+s3], $0x80, v2, vm0, $0xb8;
	[tilespmem:$0x1C200] =	vst v63  }
0x1a6: {  	s18 =	simm.s32 $0x2A00  }
0x1a7: {  	[tilespmem:s18], [sflag:$0x1] =	stream.indirect_vreg.gather [hbm4b:s9+s3], $0x80, v2, vm0, $0xb8;
	[tilespmem:$0x1C200] =	vst v63  }
0x1a8: {  	s19 =	simm.s32 $0x3200  }
0x1a9: {  	[tilespmem:s19], [sflag:$0x1] =	stream.indirect_vreg.gather [hbm4b:s11+s3], $0x80, v2, vm0, $0xb8;
	[tilespmem:$0x1C200] =	vst v63  }
0x1aa: {  	s22 =	simm.s32 $0x3A00  }
0x1ab: {  	[tilespmem:s22], [sflag:$0x1] =	stream.indirect_vreg.gather [hbm4b:s12+s3], $0x80, v2, vm0, $0xb8;
	[tilespmem:$0x1C200] =	vst v63  }
0x1ac: {  	_ =	swait.ge [sflag:s10], $0x4000  }
0x1ad: {  	[sflag:s10] =	ssyncset.done $0x0  }
0x1ae: {  	s0 =	rddreg [dreg:$0xb];
	[sflag:s10] =	ssyncadd.s32 $0xFFFFC000  }
0x1af: {  	[hbm4b:s0+s3] =	stream.linear.scatter [tilespmem:s4], [sflag:$0xD], $0x4000, $0x38;
	[tilespmem:$0x1C200] =	vst v63  }
0x1b0: {  	_ =	swait.ge [sflag:s30], $0x4000  }
0x1b1: {  	[sflag:s30] =	ssyncset.done $0x0  }
0x1b2: {  	[sflag:s30] =	ssyncadd.s32 $0xFFFFC000  }
0x1b3: {  	_ =	swait.ge [sflag:s21], $0x4000  }
0x1b4: {  	[sflag:s21] =	ssyncset.done $0x0  }
0x1b5: {  	s0 =	simm.s32 $0xA;
	s1 =	rddreg [dreg:$0xc];
	[sflag:s21] =	ssyncadd.s32 $0xFFFFC000  }
0x1b6: {  	[hbm4b:s1+s3] =	stream.linear.scatter [tilespmem:s17], [sflag:$0xE], $0x4000, $0x38;
	[tilespmem:$0x1C200] =	vst v63  }
0x1b7: {  	_ =	swait.ge [sflag:s0], $0x4000  }
0x1b8: {  	[sflag:s0] =	ssyncset.done $0x0  }
0x1b9: {  	s16 =	simm.s32 $0x1;
	[sflag:s0] =	ssyncadd.s32 $0xFFFFC000  }
0x1ba: {  	_ =	swait.ge [sflag:s16], $0x4000  }
0x1bb: {  	[sflag:s16] =	ssyncset.done $0x0  }
0x1bc: {  	s18 =	rddreg [dreg:$0xd];
	[sflag:s16] =	ssyncadd.s32 $0xFFFFC000  }
0x1bd: {  	[hbm4b:s18+s3] =	stream.linear.scatter [tilespmem:s13], [sflag:$0x8], $0x4000, $0x38;
	[tilespmem:$0x1C200] =	vst v63  }
0x1be: {  	_ =	swait.ge [sflag:s29], $0x4000  }
0x1bf: {  	[sflag:s29] =	ssyncset.done $0x0  }
0x1c0: {  	[sflag:s29] =	ssyncadd.s32 $0xFFFFC000  }
0x1c1: {  	_ =	swait.ge [sflag:s25], $0x4000  }
0x1c2: {  	[sflag:s25] =	ssyncset.done $0x0  }
0x1c3: {  	[sflag:s25] =	ssyncadd.s32 $0xFFFFC000  }
0x1c4: {  	_ =	swait.ge [sflag:s23], $0x4000  }
0x1c5: {  	[sflag:s23] =	ssyncset.done $0x0  }
0x1c6: {  	[sflag:s23] =	ssyncadd.s32 $0xFFFFC000  }
0x1c7: {  	_ =	swait.ge [sflag:s15], $0x4000  }
0x1c8: {  	[sflag:s15] =	ssyncset.done $0x0  }
0x1c9: {  	[sflag:s15] =	ssyncadd.s32 $0xFFFFC000  }
0x1ca: {  	_ =	swait.ge [sflag:s14], $0x4000  }
0x1cb: {  	s19 =	rddreg [dreg:$0xf]  }
0x1cc: {  	s22 =	rddreg [dreg:$0xe];
	s0 =	sadd.s32 $0x1, s19  }
0x1cd: {  	p0 =	sne.s32 s0, s22  }
.Ltmp1:
0x1ce: {  	_ = 	snop;
	(pc) =	sbr.rel @p0 .LBB2_1-.Ltmp1, $4  }
0x1cf: {  	_ = 	snop  }
0x1d0: {  	[sflag:s14] =	ssyncset.done $0x0  }
0x1d1: {  	s31 =	simm.s32 $0x6200;
	s29 =	simm.s32 $0x5A00;
	[sflag:s14] =	ssyncadd.s32 $0xFFFFC000  }
0x1d2: {  	s19 =	simm.s32 $0x4200;
	s14 =	simm.s32 $0x4A00;
	s22 =	simm.s32 $0x5200  }
0x1d3: {  	_ =	sfence.sel $0x180000  }
0x1d4: {  	[bflag:$0x0] =	sbarrier.arrive $0xFFFF  }
0x1d5: {  	_ =	strace $0x90000047  }
0x1d6: {  	s0 =	stileid.u32;
	[bflag:$0x2] =	sbarrier.arrive $0xFFFF  }
0x1d7: {  	p0 =	sne.s32 s0, $0x0;
	s0 =	rddreg [dreg:$0x3]  }
0x1d8: {  	s0 =	sadd.s32 @!p0 $0x100000, s0  }
0x1d9: {  	[sflag:s0] =	ssyncadd.tile.s32 @!p0 $0x1;
	_ =	shalt  }
.Lfunc_end2:
_tile_overlayer_lowered:
.L_overlay_start_2:
0x1da: {  	(tag) =	ssettag $0x2  }
0x1db: {  	s0 =	rddreg [dreg:$0x0];
	s2 =	stileid.u32  }
0x1dc: {  	s1 =	rddreg [dreg:$0x1];
	p0 =	sne.s32 s2, $0x0  }
0x1dd: {  	s3 =	rddreg [dreg:$0x2];
	[bflag:$0x3] =	sbarrier.arrive $0xFFFF;
	s2 =	simm.s32 @!p0 $0x1C0F  }
0x1de: {  	[timem:s3], [sflag:s2] =	dma.local @!p0 [hbm:s0], s1  }
0x1df: {  	s0 =	simm.s32 @!p0 $0xF  }
0x1e0: {  	_ =	swait.ge @!p0 [sflag:s0], s1  }
0x1e1: {  	s1 =	ssub.s32 @!p0 $0x0, s1;
	[sflag:s0] =	ssyncset.done @!p0 $0x0  }
0x1e2: {  	[sflag:s0] =	ssyncadd.s32 @!p0 s1  }
0x1e3: {  	[bflag:$0x3] =	sbarrier.arrive $0xFFFF  }
0x1e4: {  	_ =	shalt  }

</sc_bundles>
